<compile_context>
chip_gen: v7x
topology: tpu7x:2x2x1
jax: 0.10.2.dev20260603
libtpu: 0.0.44.dev20260713+nightly
codegen_flags: <defaults>
</compile_context>

<pallas_src>
import functools

import jax
import jax.numpy as jnp
from jax import lax
from jax.experimental import pallas as pl
from jax.experimental.pallas import tpu as pltpu
from jax.experimental.pallas import tpu_sc as plsc

_K = 20
_N = 1024
_D = 64
_H = 128
_BIG = 1e10
_EDIM = 2 * _D + 1



def _topk_kernel(xb_ref, idx_ref, d_ref):
    xb = xb_ref[0]
    g = jax.lax.dot_general(xb, xb, (((1,), (1,)), ((), ())),
                            preferred_element_type=jnp.float32,
                            precision=jax.lax.Precision.HIGHEST)
    colid = jax.lax.broadcasted_iota(jnp.int32, (_N, _N), 1)
    rowid = jax.lax.broadcasted_iota(jnp.int32, (_N, _N), 0)
    eye = colid == rowid
    sqj = jnp.sum(jnp.where(eye, g, 0.0), axis=0, keepdims=True)
    d_ref[...] = sqj - 2.0 * g + jnp.where(eye, _BIG, 0.0)

    boff = pl.program_id(0) * _N
    laneid = jax.lax.broadcasted_iota(jnp.int32, (_N, _K), 1)
    idx_ref[0] = jnp.zeros((_N, _K), jnp.int32)

    def body(t, carry):
        d = d_ref[...]
        mn = jnp.min(d, axis=1, keepdims=True)
        idxsel = jnp.min(jnp.where(d <= mn, colid, jnp.int32(2 ** 30)),
                         axis=1, keepdims=True)
        d_ref[...] = jnp.where(colid == idxsel, jnp.float32(3e38), d)
        idx_ref[0] = jnp.where(laneid == t, idxsel + boff, idx_ref[0])
        return carry

    jax.lax.fori_loop(0, _K, body, 0)


def _topk_indices(x):
    B = x.shape[0]
    return pl.pallas_call(
        _topk_kernel,
        grid=(B,),
        in_specs=[pl.BlockSpec((1, _N, _D), lambda b: (b, 0, 0))],
        out_specs=pl.BlockSpec((1, _N, _K), lambda b: (b, 0, 0)),
        out_shape=jax.ShapeDtypeStruct((B, _N, _K), jnp.int32),
        scratch_shapes=[pltpu.VMEM((_N, _N), jnp.float32)],
    )(x)



def _sc_gather(table, idx_flat):
    E = idx_flat.shape[0]
    W = table.shape[1]
    info = plsc.get_sparse_core_info()
    nc, ns = info.num_cores, info.num_subcores
    nw = nc * ns
    ch = 128
    e_per_w = E // nw
    n_chunks = e_per_w // ch
    assert e_per_w * nw == E and n_chunks * ch == e_per_w

    mesh = plsc.VectorSubcoreMesh(core_axis_name="c", subcore_axis_name="s")

    @functools.partial(
        pl.kernel, mesh=mesh,
        out_type=jax.ShapeDtypeStruct((E, W), jnp.float32),
        scratch_types=[
            pltpu.VMEM((ch,), jnp.int32),
            pltpu.VMEM((ch,), jnp.int32),
            pltpu.VMEM((ch, W), jnp.float32),
            pltpu.VMEM((ch, W), jnp.float32),
            pltpu.SemaphoreType.DMA,
            pltpu.SemaphoreType.DMA,
        ],
    )
    def gather_k(table_hbm, idx_hbm, out_hbm, idx0, idx1, rows0, rows1,
                 sem0, sem1):
        wid = lax.axis_index("s") * nc + lax.axis_index("c")
        base = wid * e_per_w
        idxv = (idx0, idx1)
        rowsv = (rows0, rows1)
        sems = (sem0, sem1)
        pltpu.sync_copy(idx_hbm.at[pl.ds(base, ch)], idx0)
        cp0 = pltpu.async_copy(table_hbm.at[idx0], rows0, sem0)
        copies = [cp0]
        for c in range(n_chunks):
            s = c % 2
            if c + 1 < n_chunks:
                sn = (c + 1) % 2
                pltpu.sync_copy(idx_hbm.at[pl.ds(base + (c + 1) * ch, ch)],
                                idxv[sn])
                copies.append(
                    pltpu.async_copy(table_hbm.at[idxv[sn]], rowsv[sn],
                                     sems[sn]))
            copies[c].wait()
            pltpu.sync_copy(rowsv[s], out_hbm.at[pl.ds(base + c * ch, ch)])

    return gather_k(table, idx_flat)



def _mlp_kernel(xb_ref, nbr_ref, w1x_ref, w1d_ref, w1e_ref, csum_ref, b1_ref,
                w2_ref, b2_ref, out_ref, ax_ref):
    t = pl.program_id(1)
    xb = xb_ref[0]

    @pl.when(t == 0)
    def _init():
        ax_ref[...] = jax.lax.dot_general(
            xb, w1x_ref[...], (((1,), (0,)), ((), ())),
            preferred_element_type=jnp.float32)
        out_ref[0] = jnp.full((_N, _D), -jnp.inf, dtype=jnp.float32)

    nbr = nbr_ref[0, 0][:, :_D]
    diff = nbr - xb
    e = jnp.sum(diff * diff, axis=1, keepdims=True)
    sx = jnp.sum(xb, axis=1, keepdims=True)
    ssx = jnp.sum(xb * xb, axis=1, keepdims=True)
    mean = (sx + jnp.sum(diff, axis=1, keepdims=True) + e) * (1.0 / _EDIM)
    msq = (ssx + e + e * e) * (1.0 / _EDIM)
    r = jax.lax.rsqrt(msq - mean * mean + 1e-6)
    ad = jax.lax.dot_general(diff, w1d_ref[...], (((1,), (0,)), ((), ())),
                             preferred_element_type=jnp.float32)
    h1 = (r * (ax_ref[...] + ad + e * w1e_ref[...])
          - (mean * r) * csum_ref[...] + b1_ref[...])
    h = h1 * (1.0 / (1.0 + jnp.exp(-h1)))
    h2 = jax.lax.dot_general(h, w2_ref[...], (((1,), (0,)), ((), ())),
                             preferred_element_type=jnp.float32) + b2_ref[...]
    out_ref[0] = jnp.maximum(out_ref[0], h2)


def _edge_mlp(x, nbr, w1x, w1d, w1e, csum, b1f, W2, b2r):
    B = x.shape[0]
    return pl.pallas_call(
        _mlp_kernel,
        grid=(B, _K),
        in_specs=[
            pl.BlockSpec((1, _N, _D), lambda b, t: (b, 0, 0)),
            pl.BlockSpec((1, 1, _N, _H), lambda b, t: (b, t, 0, 0)),
            pl.BlockSpec((_D, _H), lambda b, t: (0, 0)),
            pl.BlockSpec((_D, _H), lambda b, t: (0, 0)),
            pl.BlockSpec((1, _H), lambda b, t: (0, 0)),
            pl.BlockSpec((1, _H), lambda b, t: (0, 0)),
            pl.BlockSpec((1, _H), lambda b, t: (0, 0)),
            pl.BlockSpec((_H, _D), lambda b, t: (0, 0)),
            pl.BlockSpec((1, _D), lambda b, t: (0, 0)),
        ],
        out_specs=pl.BlockSpec((1, _N, _D), lambda b, t: (b, 0, 0)),
        out_shape=jax.ShapeDtypeStruct((B, _N, _D), jnp.float32),
        scratch_shapes=[pltpu.VMEM((_N, _H), jnp.float32)],
    )(x, nbr, w1x, w1d, w1e, csum, b1f, W2, b2r)


@jax.jit
def kernel(x, ln_scale, ln_bias, W1, b1, W2, b2):
    B, N, D = x.shape
    w1s = ln_scale[:, None] * W1
    b1f = (b1 + ln_bias @ W1)[None, :]
    csum = jnp.sum(w1s, axis=0)[None, :]
    w1x = w1s[:D]
    w1d = w1s[D:2 * D]
    w1e = w1s[2 * D:2 * D + 1]

    idx = _topk_indices(x)
    idx_btn = jnp.swapaxes(idx, 1, 2).reshape(-1)
    table = jnp.concatenate(
        [x.reshape(B * N, D), jnp.zeros((B * N, _H - D), jnp.float32)], axis=1)
    nbr_flat = _sc_gather(table, idx_btn)
    nbr = nbr_flat.reshape(B, _K, N, _H)
    return _edge_mlp(x, nbr, w1x, w1d, w1e, csum, b1f, W2, b2[None, :])

# --- scband reference (transcript-rebuilt; emitter-appended) ---
"""Pipeline reference for scband-modern-edge-conv-59021440582229 (READ-ONLY COPY).

The authoritative reference and input builder live on the scoring server;
editing this copy changes nothing except your own understanding.
"""

import jax, jax.numpy as jnp
import numpy as np

K = 20

def knn_graph(x, k, exclude_self=True):
    B, N, D = x.shape
    xi = x[:, :, None, :]
    xj = x[:, None, :, :]
    distances = jnp.sum((xi - xj) ** 2, axis=-1)
    if exclude_self:
        distances = distances + jnp.eye(N)[None, :, :] * 10000000000.0
    indices = jnp.argsort(distances, axis=-1)[:, :, :k]
    return indices

def layer_norm(x, scale, bias, eps=1e-6):
    mean = jnp.mean(x, axis=-1, keepdims=True)
    var = jnp.var(x, axis=-1, keepdims=True)
    return (x - mean) * jax.lax.rsqrt(var + eps) * scale + bias

def setup_inputs(seed: int = 0):
    key = jax.random.key(seed)
    ks = jax.random.split(key, 4)
    B, N, D = 4, 1024, 64
    out_dim = 64
    edim = 2 * D + 1
    x = jax.random.normal(ks[0], (B, N, D), dtype=jnp.float32)
    ln_scale = jnp.ones((edim,), dtype=jnp.float32)
    ln_bias = jnp.zeros((edim,), dtype=jnp.float32)
    W1 = jax.random.normal(ks[1], (edim, 2 * out_dim), dtype=jnp.float32) / np.sqrt(edim)
    b1 = jnp.zeros((2 * out_dim,), dtype=jnp.float32)
    W2 = jax.random.normal(ks[2], (2 * out_dim, out_dim), dtype=jnp.float32) / np.sqrt(2 * out_dim)
    b2 = jnp.zeros((out_dim,), dtype=jnp.float32)
    return {"x": x, "ln_scale": ln_scale, "ln_bias": ln_bias, "W1": W1, "b1": b1, "W2": W2, "b2": b2}

def reference(x, ln_scale, ln_bias, W1, b1, W2, b2):
    B, N, D = x.shape
    k = K
    knn_indices = knn_graph(x, k)
    batch_indices = jnp.arange(B)[:, None, None]
    neighbor_features = x[batch_indices, knn_indices]
    x_expanded = x[:, :, None, :]
    diff = neighbor_features - x_expanded
    dist_sq = jnp.sum(diff ** 2, axis=-1, keepdims=True)
    edge_features = jnp.concatenate([jnp.tile(x_expanded, (1, 1, k, 1)), diff, dist_sq], axis=-1)
    edge_feat_dim = 2 * D + 1
    ef = edge_features.reshape(B * N * k, edge_feat_dim)
    h = layer_norm(ef, ln_scale, ln_bias)
    h = h @ W1 + b1
    h = jax.nn.swish(h)
    h = h @ W2 + b2
    edge_mlp = h.reshape(B, N, k, -1)
    output = jnp.max(edge_mlp, axis=2)
    return output

if __name__ == "__main__":
    import jax
    _d = setup_inputs()
    print(jax.jit(kernel)(*tuple(_d.values())))

</pallas_src>

<mosaic_0001>
#map = affine_map<(d0, d1) -> (0, 0)>
#map1 = affine_map<(d0, d1) -> (0)>
module attributes {stable_mosaic.version = 14 : i64} {
  func.func @gather_k(%arg0: i32, %arg1: i32, %arg2: memref<4096x128xf32, #tpu.memory_space<hbm>>, %arg3: memref<81920xi32, #tpu.memory_space<hbm>>, %arg4: memref<81920x128xf32, #tpu.memory_space<hbm>>, %arg5: memref<128xi32, #tpu.memory_space<vmem>>, %arg6: memref<128xi32, #tpu.memory_space<vmem>>, %arg7: memref<128x128xf32, #tpu.memory_space<vmem>>, %arg8: memref<128x128xf32, #tpu.memory_space<vmem>>, %arg9: memref<!tpu.dma_semaphore, #tpu.memory_space<semaphore_mem>>, %arg10: memref<!tpu.dma_semaphore, #tpu.memory_space<semaphore_mem>>) attributes {dimension_semantics = [#tpu.dimension_semantics<core_parallel>, #tpu.dimension_semantics<subcore_parallel>], iteration_bounds = array<i64: 2, 16>, scalar_prefetch = 0 : i64, scratch_operands = 6 : i64, tpu.core_type = #tpu.core_type<sc_vector_subcore>, window_params = [{transform_indices = #map}, {transform_indices = #map1}, {transform_indices = #map}]} {
    %mul3A = arith.constant 2 : i32
    %mul3A_0 = arith.muli %arg1, %mul3A : i32
    %add3A = arith.addi %mul3A_0, %arg0 : i32
    %mul3A_1 = arith.constant 2560 : i32
    %mul3A_2 = arith.muli %add3A, %mul3A_1 : i32
    "tpu.region"() ({
      %run_scoped3A = tpu.sem_alloc : memref<!tpu.dma_semaphore, #tpu.memory_space<semaphore_mem>>
      %dma_start3A_199 = tpu.memref_slice %arg3[%mul3A_2] : memref<81920xi32, #tpu.memory_space<hbm>> -> memref<128xi32, #tpu.memory_space<hbm>>
      %dma_start3A_200 = tpu.memref_slice %arg3[%mul3A_2] : memref<81920xi32, #tpu.memory_space<hbm>> -> memref<128xi32, #tpu.memory_space<hbm>>
      tpu.enqueue_dma source(%dma_start3A_200 : memref<128xi32, #tpu.memory_space<hbm>>) target(%arg5 : memref<128xi32, #tpu.memory_space<vmem>>) target_semaphore(%run_scoped3A : memref<!tpu.dma_semaphore, #tpu.memory_space<semaphore_mem>>)
      %dma_wait3A_201 = tpu.memref_slice %arg3[%mul3A_2] : memref<81920xi32, #tpu.memory_space<hbm>> -> memref<128xi32, #tpu.memory_space<hbm>>
      %dma_wait3A_202 = tpu.memref_slice %arg3[%mul3A_2] : memref<81920xi32, #tpu.memory_space<hbm>> -> memref<128xi32, #tpu.memory_space<hbm>>
      tpu.wait_dma2 semaphore(%run_scoped3A : memref<!tpu.dma_semaphore, #tpu.memory_space<semaphore_mem>>) src(%dma_wait3A_202 : memref<128xi32, #tpu.memory_space<hbm>>) dst(%arg5 : memref<128xi32, #tpu.memory_space<vmem>>)
      tpu.yield
    }) : () -> ()
    %dma_start3A = arith.constant 0 : i32
    %dma_start3A_3 = arith.constant 0 : i32
    %dma_start3A_4 = tpu.memref_slice %arg2[%dma_start3A, %dma_start3A_3] : memref<4096x128xf32, #tpu.memory_space<hbm>> -> memref<4096x128xf32, #tpu.memory_space<hbm>>
    tpu.enqueue_indirect_dma source(%dma_start3A_4 : memref<4096x128xf32, #tpu.memory_space<hbm>>) target(%arg7 : memref<128x128xf32, #tpu.memory_space<vmem>>) offsets(%arg5 : memref<128xi32, #tpu.memory_space<vmem>>) semaphore(%arg9 : memref<!tpu.dma_semaphore, #tpu.memory_space<semaphore_mem>>)
    %add3A_5 = arith.constant 128 : i32
    %add3A_6 = arith.addi %mul3A_2, %add3A_5 : i32
    "tpu.region"() ({
      %run_scoped3A = tpu.sem_alloc : memref<!tpu.dma_semaphore, #tpu.memory_space<semaphore_mem>>
      %dma_start3A_199 = tpu.memref_slice %arg3[%add3A_6] : memref<81920xi32, #tpu.memory_space<hbm>> -> memref<128xi32, #tpu.memory_space<hbm>>
      %dma_start3A_200 = tpu.memref_slice %arg3[%add3A_6] : memref<81920xi32, #tpu.memory_space<hbm>> -> memref<128xi32, #tpu.memory_space<hbm>>
      tpu.enqueue_dma source(%dma_start3A_200 : memref<128xi32, #tpu.memory_space<hbm>>) target(%arg6 : memref<128xi32, #tpu.memory_space<vmem>>) target_semaphore(%run_scoped3A : memref<!tpu.dma_semaphore, #tpu.memory_space<semaphore_mem>>)
      %dma_wait3A_201 = tpu.memref_slice %arg3[%add3A_6] : memref<81920xi32, #tpu.memory_space<hbm>> -> memref<128xi32, #tpu.memory_space<hbm>>
      %dma_wait3A_202 = tpu.memref_slice %arg3[%add3A_6] : memref<81920xi32, #tpu.memory_space<hbm>> -> memref<128xi32, #tpu.memory_space<hbm>>
      tpu.wait_dma2 semaphore(%run_scoped3A : memref<!tpu.dma_semaphore, #tpu.memory_space<semaphore_mem>>) src(%dma_wait3A_202 : memref<128xi32, #tpu.memory_space<hbm>>) dst(%arg6 : memref<128xi32, #tpu.memory_space<vmem>>)
      tpu.yield
    }) : () -> ()
    %dma_start3A_7 = arith.constant 0 : i32
    %dma_start3A_8 = arith.constant 0 : i32
    %dma_start3A_9 = tpu.memref_slice %arg2[%dma_start3A_7, %dma_start3A_8] : memref<4096x128xf32, #tpu.memory_space<hbm>> -> memref<4096x128xf32, #tpu.memory_space<hbm>>
    tpu.enqueue_indirect_dma source(%dma_start3A_9 : memref<4096x128xf32, #tpu.memory_space<hbm>>) target(%arg8 : memref<128x128xf32, #tpu.memory_space<vmem>>) offsets(%arg6 : memref<128xi32, #tpu.memory_space<vmem>>) semaphore(%arg10 : memref<!tpu.dma_semaphore, #tpu.memory_space<semaphore_mem>>)
    %dma_wait3A = arith.constant 0 : i32
    %dma_wait3A_10 = arith.constant 0 : i32
    %dma_wait3A_11 = tpu.memref_slice %arg2[%dma_wait3A, %dma_wait3A_10] : memref<4096x128xf32, #tpu.memory_space<hbm>> -> memref<4096x128xf32, #tpu.memory_space<hbm>>
    tpu.wait_indirect_dma semaphore(%arg9 : memref<!tpu.dma_semaphore, #tpu.memory_space<semaphore_mem>>) src(%dma_wait3A_11 : memref<4096x128xf32, #tpu.memory_space<hbm>>) dst(%arg7 : memref<128x128xf32, #tpu.memory_space<vmem>>)
    %add3A_12 = arith.constant 0 : i32
    %add3A_13 = arith.addi %mul3A_2, %add3A_12 : i32
    "tpu.region"() ({
      %run_scoped3A = tpu.sem_alloc : memref<!tpu.dma_semaphore, #tpu.memory_space<semaphore_mem>>
      %dma_start3A_199 = arith.constant 0 : i32
      %dma_start3A_200 = tpu.memref_slice %arg4[%add3A_13, %dma_start3A_199] : memref<81920x128xf32, #tpu.memory_space<hbm>> -> memref<128x128xf32, #tpu.memory_space<hbm>>
      %dma_start3A_201 = arith.constant 0 : i32
      %dma_start3A_202 = tpu.memref_slice %arg4[%add3A_13, %dma_start3A_201] : memref<81920x128xf32, #tpu.memory_space<hbm>> -> memref<128x128xf32, #tpu.memory_space<hbm>>
      tpu.enqueue_dma source(%arg7 : memref<128x128xf32, #tpu.memory_space<vmem>>) target(%dma_start3A_202 : memref<128x128xf32, #tpu.memory_space<hbm>>) target_semaphore(%run_scoped3A : memref<!tpu.dma_semaphore, #tpu.memory_space<semaphore_mem>>)
      %dma_wait3A_203 = arith.constant 0 : i32
      %dma_wait3A_204 = tpu.memref_slice %arg4[%add3A_13, %dma_wait3A_203] : memref<81920x128xf32, #tpu.memory_space<hbm>> -> memref<128x128xf32, #tpu.memory_space<hbm>>
      %dma_wait3A_205 = arith.constant 0 : i32
      %dma_wait3A_206 = tpu.memref_slice %arg4[%add3A_13, %dma_wait3A_205] : memref<81920x128xf32, #tpu.memory_space<hbm>> -> memref<128x128xf32, #tpu.memory_space<hbm>>
      tpu.wait_dma2 semaphore(%run_scoped3A : memref<!tpu.dma_semaphore, #tpu.memory_space<semaphore_mem>>) src(%arg7 : memref<128x128xf32, #tpu.memory_space<vmem>>) dst(%dma_wait3A_206 : memref<128x128xf32, #tpu.memory_space<hbm>>)
      tpu.yield
    }) : () -> ()
    %add3A_14 = arith.constant 256 : i32
    %add3A_15 = arith.addi %mul3A_2, %add3A_14 : i32
    "tpu.region"() ({
      %run_scoped3A = tpu.sem_alloc : memref<!tpu.dma_semaphore, #tpu.memory_space<semaphore_mem>>
      %dma_start3A_199 = tpu.memref_slice %arg3[%add3A_15] : memref<81920xi32, #tpu.memory_space<hbm>> -> memref<128xi32, #tpu.memory_space<hbm>>
      %dma_start3A_200 = tpu.memref_slice %arg3[%add3A_15] : memref<81920xi32, #tpu.memory_space<hbm>> -> memref<128xi32, #tpu.memory_space<hbm>>
      tpu.enqueue_dma source(%dma_start3A_200 : memref<128xi32, #tpu.memory_space<hbm>>) target(%arg5 : memref<128xi32, #tpu.memory_space<vmem>>) target_semaphore(%run_scoped3A : memref<!tpu.dma_semaphore, #tpu.memory_space<semaphore_mem>>)
      %dma_wait3A_201 = tpu.memref_slice %arg3[%add3A_15] : memref<81920xi32, #tpu.memory_space<hbm>> -> memref<128xi32, #tpu.memory_space<hbm>>
      %dma_wait3A_202 = tpu.memref_slice %arg3[%add3A_15] : memref<81920xi32, #tpu.memory_space<hbm>> -> memref<128xi32, #tpu.memory_space<hbm>>
      tpu.wait_dma2 semaphore(%run_scoped3A : memref<!tpu.dma_semaphore, #tpu.memory_space<semaphore_mem>>) src(%dma_wait3A_202 : memref<128xi32, #tpu.memory_space<hbm>>) dst(%arg5 : memref<128xi32, #tpu.memory_space<vmem>>)
      tpu.yield
    }) : () -> ()
    %dma_start3A_16 = arith.constant 0 : i32
    %dma_start3A_17 = arith.constant 0 : i32
    %dma_start3A_18 = tpu.memref_slice %arg2[%dma_start3A_16, %dma_start3A_17] : memref<4096x128xf32, #tpu.memory_space<hbm>> -> memref<4096x128xf32, #tpu.memory_space<hbm>>
    tpu.enqueue_indirect_dma source(%dma_start3A_18 : memref<4096x128xf32, #tpu.memory_space<hbm>>) target(%arg7 : memref<128x128xf32, #tpu.memory_space<vmem>>) offsets(%arg5 : memref<128xi32, #tpu.memory_space<vmem>>) semaphore(%arg9 : memref<!tpu.dma_semaphore, #tpu.memory_space<semaphore_mem>>)
    %dma_wait3A_19 = arith.constant 0 : i32
    %dma_wait3A_20 = arith.constant 0 : i32
    %dma_wait3A_21 = tpu.memref_slice %arg2[%dma_wait3A_19, %dma_wait3A_20] : memref<4096x128xf32, #tpu.memory_space<hbm>> -> memref<4096x128xf32, #tpu.memory_space<hbm>>
    tpu.wait_indirect_dma semaphore(%arg10 : memref<!tpu.dma_semaphore, #tpu.memory_space<semaphore_mem>>) src(%dma_wait3A_21 : memref<4096x128xf32, #tpu.memory_space<hbm>>) dst(%arg8 : memref<128x128xf32, #tpu.memory_space<vmem>>)
    %add3A_22 = arith.constant 128 : i32
    %add3A_23 = arith.addi %mul3A_2, %add3A_22 : i32
    "tpu.region"() ({
      %run_scoped3A = tpu.sem_alloc : memref<!tpu.dma_semaphore, #tpu.memory_space<semaphore_mem>>
      %dma_start3A_199 = arith.constant 0 : i32
      %dma_start3A_200 = tpu.memref_slice %arg4[%add3A_23, %dma_start3A_199] : memref<81920x128xf32, #tpu.memory_space<hbm>> -> memref<128x128xf32, #tpu.memory_space<hbm>>
      %dma_start3A_201 = arith.constant 0 : i32
      %dma_start3A_202 = tpu.memref_slice %arg4[%add3A_23, %dma_start3A_201] : memref<81920x128xf32, #tpu.memory_space<hbm>> -> memref<128x128xf32, #tpu.memory_space<hbm>>
      tpu.enqueue_dma source(%arg8 : memref<128x128xf32, #tpu.memory_space<vmem>>) target(%dma_start3A_202 : memref<128x128xf32, #tpu.memory_space<hbm>>) target_semaphore(%run_scoped3A : memref<!tpu.dma_semaphore, #tpu.memory_space<semaphore_mem>>)
      %dma_wait3A_203 = arith.constant 0 : i32
      %dma_wait3A_204 = tpu.memref_slice %arg4[%add3A_23, %dma_wait3A_203] : memref<81920x128xf32, #tpu.memory_space<hbm>> -> memref<128x128xf32, #tpu.memory_space<hbm>>
      %dma_wait3A_205 = arith.constant 0 : i32
      %dma_wait3A_206 = tpu.memref_slice %arg4[%add3A_23, %dma_wait3A_205] : memref<81920x128xf32, #tpu.memory_space<hbm>> -> memref<128x128xf32, #tpu.memory_space<hbm>>
      tpu.wait_dma2 semaphore(%run_scoped3A : memref<!tpu.dma_semaphore, #tpu.memory_space<semaphore_mem>>) src(%arg8 : memref<128x128xf32, #tpu.memory_space<vmem>>) dst(%dma_wait3A_206 : memref<128x128xf32, #tpu.memory_space<hbm>>)
      tpu.yield
    }) : () -> ()
    %add3A_24 = arith.constant 384 : i32
    %add3A_25 = arith.addi %mul3A_2, %add3A_24 : i32
    "tpu.region"() ({
      %run_scoped3A = tpu.sem_alloc : memref<!tpu.dma_semaphore, #tpu.memory_space<semaphore_mem>>
      %dma_start3A_199 = tpu.memref_slice %arg3[%add3A_25] : memref<81920xi32, #tpu.memory_space<hbm>> -> memref<128xi32, #tpu.memory_space<hbm>>
      %dma_start3A_200 = tpu.memref_slice %arg3[%add3A_25] : memref<81920xi32, #tpu.memory_space<hbm>> -> memref<128xi32, #tpu.memory_space<hbm>>
      tpu.enqueue_dma source(%dma_start3A_200 : memref<128xi32, #tpu.memory_space<hbm>>) target(%arg6 : memref<128xi32, #tpu.memory_space<vmem>>) target_semaphore(%run_scoped3A : memref<!tpu.dma_semaphore, #tpu.memory_space<semaphore_mem>>)
      %dma_wait3A_201 = tpu.memref_slice %arg3[%add3A_25] : memref<81920xi32, #tpu.memory_space<hbm>> -> memref<128xi32, #tpu.memory_space<hbm>>
      %dma_wait3A_202 = tpu.memref_slice %arg3[%add3A_25] : memref<81920xi32, #tpu.memory_space<hbm>> -> memref<128xi32, #tpu.memory_space<hbm>>
      tpu.wait_dma2 semaphore(%run_scoped3A : memref<!tpu.dma_semaphore, #tpu.memory_space<semaphore_mem>>) src(%dma_wait3A_202 : memref<128xi32, #tpu.memory_space<hbm>>) dst(%arg6 : memref<128xi32, #tpu.memory_space<vmem>>)
      tpu.yield
    }) : () -> ()
    %dma_start3A_26 = arith.constant 0 : i32
    %dma_start3A_27 = arith.constant 0 : i32
    %dma_start3A_28 = tpu.memref_slice %arg2[%dma_start3A_26, %dma_start3A_27] : memref<4096x128xf32, #tpu.memory_space<hbm>> -> memref<4096x128xf32, #tpu.memory_space<hbm>>
    tpu.enqueue_indirect_dma source(%dma_start3A_28 : memref<4096x128xf32, #tpu.memory_space<hbm>>) target(%arg8 : memref<128x128xf32, #tpu.memory_space<vmem>>) offsets(%arg6 : memref<128xi32, #tpu.memory_space<vmem>>) semaphore(%arg10 : memref<!tpu.dma_semaphore, #tpu.memory_space<semaphore_mem>>)
    %dma_wait3A_29 = arith.constant 0 : i32
    %dma_wait3A_30 = arith.constant 0 : i32
    %dma_wait3A_31 = tpu.memref_slice %arg2[%dma_wait3A_29, %dma_wait3A_30] : memref<4096x128xf32, #tpu.memory_space<hbm>> -> memref<4096x128xf32, #tpu.memory_space<hbm>>
    tpu.wait_indirect_dma semaphore(%arg9 : memref<!tpu.dma_semaphore, #tpu.memory_space<semaphore_mem>>) src(%dma_wait3A_31 : memref<4096x128xf32, #tpu.memory_space<hbm>>) dst(%arg7 : memref<128x128xf32, #tpu.memory_space<vmem>>)
    %add3A_32 = arith.constant 256 : i32
    %add3A_33 = arith.addi %mul3A_2, %add3A_32 : i32
    "tpu.region"() ({
      %run_scoped3A = tpu.sem_alloc : memref<!tpu.dma_semaphore, #tpu.memory_space<semaphore_mem>>
      %dma_start3A_199 = arith.constant 0 : i32
      %dma_start3A_200 = tpu.memref_slice %arg4[%add3A_33, %dma_start3A_199] : memref<81920x128xf32, #tpu.memory_space<hbm>> -> memref<128x128xf32, #tpu.memory_space<hbm>>
      %dma_start3A_201 = arith.constant 0 : i32
      %dma_start3A_202 = tpu.memref_slice %arg4[%add3A_33, %dma_start3A_201] : memref<81920x128xf32, #tpu.memory_space<hbm>> -> memref<128x128xf32, #tpu.memory_space<hbm>>
      tpu.enqueue_dma source(%arg7 : memref<128x128xf32, #tpu.memory_space<vmem>>) target(%dma_start3A_202 : memref<128x128xf32, #tpu.memory_space<hbm>>) target_semaphore(%run_scoped3A : memref<!tpu.dma_semaphore, #tpu.memory_space<semaphore_mem>>)
      %dma_wait3A_203 = arith.constant 0 : i32
      %dma_wait3A_204 = tpu.memref_slice %arg4[%add3A_33, %dma_wait3A_203] : memref<81920x128xf32, #tpu.memory_space<hbm>> -> memref<128x128xf32, #tpu.memory_space<hbm>>
      %dma_wait3A_205 = arith.constant 0 : i32
      %dma_wait3A_206 = tpu.memref_slice %arg4[%add3A_33, %dma_wait3A_205] : memref<81920x128xf32, #tpu.memory_space<hbm>> -> memref<128x128xf32, #tpu.memory_space<hbm>>
      tpu.wait_dma2 semaphore(%run_scoped3A : memref<!tpu.dma_semaphore, #tpu.memory_space<semaphore_mem>>) src(%arg7 : memref<128x128xf32, #tpu.memory_space<vmem>>) dst(%dma_wait3A_206 : memref<128x128xf32, #tpu.memory_space<hbm>>)
      tpu.yield
    }) : () -> ()
    %add3A_34 = arith.constant 512 : i32
    %add3A_35 = arith.addi %mul3A_2, %add3A_34 : i32
    "tpu.region"() ({
      %run_scoped3A = tpu.sem_alloc : memref<!tpu.dma_semaphore, #tpu.memory_space<semaphore_mem>>
      %dma_start3A_199 = tpu.memref_slice %arg3[%add3A_35] : memref<81920xi32, #tpu.memory_space<hbm>> -> memref<128xi32, #tpu.memory_space<hbm>>
      %dma_start3A_200 = tpu.memref_slice %arg3[%add3A_35] : memref<81920xi32, #tpu.memory_space<hbm>> -> memref<128xi32, #tpu.memory_space<hbm>>
      tpu.enqueue_dma source(%dma_start3A_200 : memref<128xi32, #tpu.memory_space<hbm>>) target(%arg5 : memref<128xi32, #tpu.memory_space<vmem>>) target_semaphore(%run_scoped3A : memref<!tpu.dma_semaphore, #tpu.memory_space<semaphore_mem>>)
      %dma_wait3A_201 = tpu.memref_slice %arg3[%add3A_35] : memref<81920xi32, #tpu.memory_space<hbm>> -> memref<128xi32, #tpu.memory_space<hbm>>
      %dma_wait3A_202 = tpu.memref_slice %arg3[%add3A_35] : memref<81920xi32, #tpu.memory_space<hbm>> -> memref<128xi32, #tpu.memory_space<hbm>>
      tpu.wait_dma2 semaphore(%run_scoped3A : memref<!tpu.dma_semaphore, #tpu.memory_space<semaphore_mem>>) src(%dma_wait3A_202 : memref<128xi32, #tpu.memory_space<hbm>>) dst(%arg5 : memref<128xi32, #tpu.memory_space<vmem>>)
      tpu.yield
    }) : () -> ()
    %dma_start3A_36 = arith.constant 0 : i32
    %dma_start3A_37 = arith.constant 0 : i32
    %dma_start3A_38 = tpu.memref_slice %arg2[%dma_start3A_36, %dma_start3A_37] : memref<4096x128xf32, #tpu.memory_space<hbm>> -> memref<4096x128xf32, #tpu.memory_space<hbm>>
    tpu.enqueue_indirect_dma source(%dma_start3A_38 : memref<4096x128xf32, #tpu.memory_space<hbm>>) target(%arg7 : memref<128x128xf32, #tpu.memory_space<vmem>>) offsets(%arg5 : memref<128xi32, #tpu.memory_space<vmem>>) semaphore(%arg9 : memref<!tpu.dma_semaphore, #tpu.memory_space<semaphore_mem>>)
    %dma_wait3A_39 = arith.constant 0 : i32
    %dma_wait3A_40 = arith.constant 0 : i32
    %dma_wait3A_41 = tpu.memref_slice %arg2[%dma_wait3A_39, %dma_wait3A_40] : memref<4096x128xf32, #tpu.memory_space<hbm>> -> memref<4096x128xf32, #tpu.memory_space<hbm>>
    tpu.wait_indirect_dma semaphore(%arg10 : memref<!tpu.dma_semaphore, #tpu.memory_space<semaphore_mem>>) src(%dma_wait3A_41 : memref<4096x128xf32, #tpu.memory_space<hbm>>) dst(%arg8 : memref<128x128xf32, #tpu.memory_space<vmem>>)
    %add3A_42 = arith.constant 384 : i32
    %add3A_43 = arith.addi %mul3A_2, %add3A_42 : i32
    "tpu.region"() ({
      %run_scoped3A = tpu.sem_alloc : memref<!tpu.dma_semaphore, #tpu.memory_space<semaphore_mem>>
      %dma_start3A_199 = arith.constant 0 : i32
      %dma_start3A_200 = tpu.memref_slice %arg4[%add3A_43, %dma_start3A_199] : memref<81920x128xf32, #tpu.memory_space<hbm>> -> memref<128x128xf32, #tpu.memory_space<hbm>>
      %dma_start3A_201 = arith.constant 0 : i32
      %dma_start3A_202 = tpu.memref_slice %arg4[%add3A_43, %dma_start3A_201] : memref<81920x128xf32, #tpu.memory_space<hbm>> -> memref<128x128xf32, #tpu.memory_space<hbm>>
      tpu.enqueue_dma source(%arg8 : memref<128x128xf32, #tpu.memory_space<vmem>>) target(%dma_start3A_202 : memref<128x128xf32, #tpu.memory_space<hbm>>) target_semaphore(%run_scoped3A : memref<!tpu.dma_semaphore, #tpu.memory_space<semaphore_mem>>)
      %dma_wait3A_203 = arith.constant 0 : i32
      %dma_wait3A_204 = tpu.memref_slice %arg4[%add3A_43, %dma_wait3A_203] : memref<81920x128xf32, #tpu.memory_space<hbm>> -> memref<128x128xf32, #tpu.memory_space<hbm>>
      %dma_wait3A_205 = arith.constant 0 : i32
      %dma_wait3A_206 = tpu.memref_slice %arg4[%add3A_43, %dma_wait3A_205] : memref<81920x128xf32, #tpu.memory_space<hbm>> -> memref<128x128xf32, #tpu.memory_space<hbm>>
      tpu.wait_dma2 semaphore(%run_scoped3A : memref<!tpu.dma_semaphore, #tpu.memory_space<semaphore_mem>>) src(%arg8 : memref<128x128xf32, #tpu.memory_space<vmem>>) dst(%dma_wait3A_206 : memref<128x128xf32, #tpu.memory_space<hbm>>)
      tpu.yield
    }) : () -> ()
    %add3A_44 = arith.constant 640 : i32
    %add3A_45 = arith.addi %mul3A_2, %add3A_44 : i32
    "tpu.region"() ({
      %run_scoped3A = tpu.sem_alloc : memref<!tpu.dma_semaphore, #tpu.memory_space<semaphore_mem>>
      %dma_start3A_199 = tpu.memref_slice %arg3[%add3A_45] : memref<81920xi32, #tpu.memory_space<hbm>> -> memref<128xi32, #tpu.memory_space<hbm>>
      %dma_start3A_200 = tpu.memref_slice %arg3[%add3A_45] : memref<81920xi32, #tpu.memory_space<hbm>> -> memref<128xi32, #tpu.memory_space<hbm>>
      tpu.enqueue_dma source(%dma_start3A_200 : memref<128xi32, #tpu.memory_space<hbm>>) target(%arg6 : memref<128xi32, #tpu.memory_space<vmem>>) target_semaphore(%run_scoped3A : memref<!tpu.dma_semaphore, #tpu.memory_space<semaphore_mem>>)
      %dma_wait3A_201 = tpu.memref_slice %arg3[%add3A_45] : memref<81920xi32, #tpu.memory_space<hbm>> -> memref<128xi32, #tpu.memory_space<hbm>>
      %dma_wait3A_202 = tpu.memref_slice %arg3[%add3A_45] : memref<81920xi32, #tpu.memory_space<hbm>> -> memref<128xi32, #tpu.memory_space<hbm>>
      tpu.wait_dma2 semaphore(%run_scoped3A : memref<!tpu.dma_semaphore, #tpu.memory_space<semaphore_mem>>) src(%dma_wait3A_202 : memref<128xi32, #tpu.memory_space<hbm>>) dst(%arg6 : memref<128xi32, #tpu.memory_space<vmem>>)
      tpu.yield
    }) : () -> ()
    %dma_start3A_46 = arith.constant 0 : i32
    %dma_start3A_47 = arith.constant 0 : i32
    %dma_start3A_48 = tpu.memref_slice %arg2[%dma_start3A_46, %dma_start3A_47] : memref<4096x128xf32, #tpu.memory_space<hbm>> -> memref<4096x128xf32, #tpu.memory_space<hbm>>
    tpu.enqueue_indirect_dma source(%dma_start3A_48 : memref<4096x128xf32, #tpu.memory_space<hbm>>) target(%arg8 : memref<128x128xf32, #tpu.memory_space<vmem>>) offsets(%arg6 : memref<128xi32, #tpu.memory_space<vmem>>) semaphore(%arg10 : memref<!tpu.dma_semaphore, #tpu.memory_space<semaphore_mem>>)
    %dma_wait3A_49 = arith.constant 0 : i32
    %dma_wait3A_50 = arith.constant 0 : i32
    %dma_wait3A_51 = tpu.memref_slice %arg2[%dma_wait3A_49, %dma_wait3A_50] : memref<4096x128xf32, #tpu.memory_space<hbm>> -> memref<4096x128xf32, #tpu.memory_space<hbm>>
    tpu.wait_indirect_dma semaphore(%arg9 : memref<!tpu.dma_semaphore, #tpu.memory_space<semaphore_mem>>) src(%dma_wait3A_51 : memref<4096x128xf32, #tpu.memory_space<hbm>>) dst(%arg7 : memref<128x128xf32, #tpu.memory_space<vmem>>)
    %add3A_52 = arith.constant 512 : i32
    %add3A_53 = arith.addi %mul3A_2, %add3A_52 : i32
    "tpu.region"() ({
      %run_scoped3A = tpu.sem_alloc : memref<!tpu.dma_semaphore, #tpu.memory_space<semaphore_mem>>
      %dma_start3A_199 = arith.constant 0 : i32
      %dma_start3A_200 = tpu.memref_slice %arg4[%add3A_53, %dma_start3A_199] : memref<81920x128xf32, #tpu.memory_space<hbm>> -> memref<128x128xf32, #tpu.memory_space<hbm>>
      %dma_start3A_201 = arith.constant 0 : i32
      %dma_start3A_202 = tpu.memref_slice %arg4[%add3A_53, %dma_start3A_201] : memref<81920x128xf32, #tpu.memory_space<hbm>> -> memref<128x128xf32, #tpu.memory_space<hbm>>
      tpu.enqueue_dma source(%arg7 : memref<128x128xf32, #tpu.memory_space<vmem>>) target(%dma_start3A_202 : memref<128x128xf32, #tpu.memory_space<hbm>>) target_semaphore(%run_scoped3A : memref<!tpu.dma_semaphore, #tpu.memory_space<semaphore_mem>>)
      %dma_wait3A_203 = arith.constant 0 : i32
      %dma_wait3A_204 = tpu.memref_slice %arg4[%add3A_53, %dma_wait3A_203] : memref<81920x128xf32, #tpu.memory_space<hbm>> -> memref<128x128xf32, #tpu.memory_space<hbm>>
      %dma_wait3A_205 = arith.constant 0 : i32
      %dma_wait3A_206 = tpu.memref_slice %arg4[%add3A_53, %dma_wait3A_205] : memref<81920x128xf32, #tpu.memory_space<hbm>> -> memref<128x128xf32, #tpu.memory_space<hbm>>
      tpu.wait_dma2 semaphore(%run_scoped3A : memref<!tpu.dma_semaphore, #tpu.memory_space<semaphore_mem>>) src(%arg7 : memref<128x128xf32, #tpu.memory_space<vmem>>) dst(%dma_wait3A_206 : memref<128x128xf32, #tpu.memory_space<hbm>>)
      tpu.yield
    }) : () -> ()
    %add3A_54 = arith.constant 768 : i32
    %add3A_55 = arith.addi %mul3A_2, %add3A_54 : i32
    "tpu.region"() ({
      %run_scoped3A = tpu.sem_alloc : memref<!tpu.dma_semaphore, #tpu.memory_space<semaphore_mem>>
      %dma_start3A_199 = tpu.memref_slice %arg3[%add3A_55] : memref<81920xi32, #tpu.memory_space<hbm>> -> memref<128xi32, #tpu.memory_space<hbm>>
      %dma_start3A_200 = tpu.memref_slice %arg3[%add3A_55] : memref<81920xi32, #tpu.memory_space<hbm>> -> memref<128xi32, #tpu.memory_space<hbm>>
      tpu.enqueue_dma source(%dma_start3A_200 : memref<128xi32, #tpu.memory_space<hbm>>) target(%arg5 : memref<128xi32, #tpu.memory_space<vmem>>) target_semaphore(%run_scoped3A : memref<!tpu.dma_semaphore, #tpu.memory_space<semaphore_mem>>)
      %dma_wait3A_201 = tpu.memref_slice %arg3[%add3A_55] : memref<81920xi32, #tpu.memory_space<hbm>> -> memref<128xi32, #tpu.memory_space<hbm>>
      %dma_wait3A_202 = tpu.memref_slice %arg3[%add3A_55] : memref<81920xi32, #tpu.memory_space<hbm>> -> memref<128xi32, #tpu.memory_space<hbm>>
      tpu.wait_dma2 semaphore(%run_scoped3A : memref<!tpu.dma_semaphore, #tpu.memory_space<semaphore_mem>>) src(%dma_wait3A_202 : memref<128xi32, #tpu.memory_space<hbm>>) dst(%arg5 : memref<128xi32, #tpu.memory_space<vmem>>)
      tpu.yield
    }) : () -> ()
    %dma_start3A_56 = arith.constant 0 : i32
    %dma_start3A_57 = arith.constant 0 : i32
    %dma_start3A_58 = tpu.memref_slice %arg2[%dma_start3A_56, %dma_start3A_57] : memref<4096x128xf32, #tpu.memory_space<hbm>> -> memref<4096x128xf32, #tpu.memory_space<hbm>>
    tpu.enqueue_indirect_dma source(%dma_start3A_58 : memref<4096x128xf32, #tpu.memory_space<hbm>>) target(%arg7 : memref<128x128xf32, #tpu.memory_space<vmem>>) offsets(%arg5 : memref<128xi32, #tpu.memory_space<vmem>>) semaphore(%arg9 : memref<!tpu.dma_semaphore, #tpu.memory_space<semaphore_mem>>)
    %dma_wait3A_59 = arith.constant 0 : i32
    %dma_wait3A_60 = arith.constant 0 : i32
    %dma_wait3A_61 = tpu.memref_slice %arg2[%dma_wait3A_59, %dma_wait3A_60] : memref<4096x128xf32, #tpu.memory_space<hbm>> -> memref<4096x128xf32, #tpu.memory_space<hbm>>
    tpu.wait_indirect_dma semaphore(%arg10 : memref<!tpu.dma_semaphore, #tpu.memory_space<semaphore_mem>>) src(%dma_wait3A_61 : memref<4096x128xf32, #tpu.memory_space<hbm>>) dst(%arg8 : memref<128x128xf32, #tpu.memory_space<vmem>>)
    %add3A_62 = arith.constant 640 : i32
    %add3A_63 = arith.addi %mul3A_2, %add3A_62 : i32
    "tpu.region"() ({
      %run_scoped3A = tpu.sem_alloc : memref<!tpu.dma_semaphore, #tpu.memory_space<semaphore_mem>>
      %dma_start3A_199 = arith.constant 0 : i32
      %dma_start3A_200 = tpu.memref_slice %arg4[%add3A_63, %dma_start3A_199] : memref<81920x128xf32, #tpu.memory_space<hbm>> -> memref<128x128xf32, #tpu.memory_space<hbm>>
      %dma_start3A_201 = arith.constant 0 : i32
      %dma_start3A_202 = tpu.memref_slice %arg4[%add3A_63, %dma_start3A_201] : memref<81920x128xf32, #tpu.memory_space<hbm>> -> memref<128x128xf32, #tpu.memory_space<hbm>>
      tpu.enqueue_dma source(%arg8 : memref<128x128xf32, #tpu.memory_space<vmem>>) target(%dma_start3A_202 : memref<128x128xf32, #tpu.memory_space<hbm>>) target_semaphore(%run_scoped3A : memref<!tpu.dma_semaphore, #tpu.memory_space<semaphore_mem>>)
      %dma_wait3A_203 = arith.constant 0 : i32
      %dma_wait3A_204 = tpu.memref_slice %arg4[%add3A_63, %dma_wait3A_203] : memref<81920x128xf32, #tpu.memory_space<hbm>> -> memref<128x128xf32, #tpu.memory_space<hbm>>
      %dma_wait3A_205 = arith.constant 0 : i32
      %dma_wait3A_206 = tpu.memref_slice %arg4[%add3A_63, %dma_wait3A_205] : memref<81920x128xf32, #tpu.memory_space<hbm>> -> memref<128x128xf32, #tpu.memory_space<hbm>>
      tpu.wait_dma2 semaphore(%run_scoped3A : memref<!tpu.dma_semaphore, #tpu.memory_space<semaphore_mem>>) src(%arg8 : memref<128x128xf32, #tpu.memory_space<vmem>>) dst(%dma_wait3A_206 : memref<128x128xf32, #tpu.memory_space<hbm>>)
      tpu.yield
    }) : () -> ()
    %add3A_64 = arith.constant 896 : i32
    %add3A_65 = arith.addi %mul3A_2, %add3A_64 : i32
    "tpu.region"() ({
      %run_scoped3A = tpu.sem_alloc : memref<!tpu.dma_semaphore, #tpu.memory_space<semaphore_mem>>
      %dma_start3A_199 = tpu.memref_slice %arg3[%add3A_65] : memref<81920xi32, #tpu.memory_space<hbm>> -> memref<128xi32, #tpu.memory_space<hbm>>
      %dma_start3A_200 = tpu.memref_slice %arg3[%add3A_65] : memref<81920xi32, #tpu.memory_space<hbm>> -> memref<128xi32, #tpu.memory_space<hbm>>
      tpu.enqueue_dma source(%dma_start3A_200 : memref<128xi32, #tpu.memory_space<hbm>>) target(%arg6 : memref<128xi32, #tpu.memory_space<vmem>>) target_semaphore(%run_scoped3A : memref<!tpu.dma_semaphore, #tpu.memory_space<semaphore_mem>>)
      %dma_wait3A_201 = tpu.memref_slice %arg3[%add3A_65] : memref<81920xi32, #tpu.memory_space<hbm>> -> memref<128xi32, #tpu.memory_space<hbm>>
      %dma_wait3A_202 = tpu.memref_slice %arg3[%add3A_65] : memref<81920xi32, #tpu.memory_space<hbm>> -> memref<128xi32, #tpu.memory_space<hbm>>
      tpu.wait_dma2 semaphore(%run_scoped3A : memref<!tpu.dma_semaphore, #tpu.memory_space<semaphore_mem>>) src(%dma_wait3A_202 : memref<128xi32, #tpu.memory_space<hbm>>) dst(%arg6 : memref<128xi32, #tpu.memory_space<vmem>>)
      tpu.yield
    }) : () -> ()
    %dma_start3A_66 = arith.constant 0 : i32
    %dma_start3A_67 = arith.constant 0 : i32
    %dma_start3A_68 = tpu.memref_slice %arg2[%dma_start3A_66, %dma_start3A_67] : memref<4096x128xf32, #tpu.memory_space<hbm>> -> memref<4096x128xf32, #tpu.memory_space<hbm>>
    tpu.enqueue_indirect_dma source(%dma_start3A_68 : memref<4096x128xf32, #tpu.memory_space<hbm>>) target(%arg8 : memref<128x128xf32, #tpu.memory_space<vmem>>) offsets(%arg6 : memref<128xi32, #tpu.memory_space<vmem>>) semaphore(%arg10 : memref<!tpu.dma_semaphore, #tpu.memory_space<semaphore_mem>>)
    %dma_wait3A_69 = arith.constant 0 : i32
    %dma_wait3A_70 = arith.constant 0 : i32
    %dma_wait3A_71 = tpu.memref_slice %arg2[%dma_wait3A_69, %dma_wait3A_70] : memref<4096x128xf32, #tpu.memory_space<hbm>> -> memref<4096x128xf32, #tpu.memory_space<hbm>>
    tpu.wait_indirect_dma semaphore(%arg9 : memref<!tpu.dma_semaphore, #tpu.memory_space<semaphore_mem>>) src(%dma_wait3A_71 : memref<4096x128xf32, #tpu.memory_space<hbm>>) dst(%arg7 : memref<128x128xf32, #tpu.memory_space<vmem>>)
    %add3A_72 = arith.constant 768 : i32
    %add3A_73 = arith.addi %mul3A_2, %add3A_72 : i32
    "tpu.region"() ({
      %run_scoped3A = tpu.sem_alloc : memref<!tpu.dma_semaphore, #tpu.memory_space<semaphore_mem>>
      %dma_start3A_199 = arith.constant 0 : i32
      %dma_start3A_200 = tpu.memref_slice %arg4[%add3A_73, %dma_start3A_199] : memref<81920x128xf32, #tpu.memory_space<hbm>> -> memref<128x128xf32, #tpu.memory_space<hbm>>
      %dma_start3A_201 = arith.constant 0 : i32
      %dma_start3A_202 = tpu.memref_slice %arg4[%add3A_73, %dma_start3A_201] : memref<81920x128xf32, #tpu.memory_space<hbm>> -> memref<128x128xf32, #tpu.memory_space<hbm>>
      tpu.enqueue_dma source(%arg7 : memref<128x128xf32, #tpu.memory_space<vmem>>) target(%dma_start3A_202 : memref<128x128xf32, #tpu.memory_space<hbm>>) target_semaphore(%run_scoped3A : memref<!tpu.dma_semaphore, #tpu.memory_space<semaphore_mem>>)
      %dma_wait3A_203 = arith.constant 0 : i32
      %dma_wait3A_204 = tpu.memref_slice %arg4[%add3A_73, %dma_wait3A_203] : memref<81920x128xf32, #tpu.memory_space<hbm>> -> memref<128x128xf32, #tpu.memory_space<hbm>>
      %dma_wait3A_205 = arith.constant 0 : i32
      %dma_wait3A_206 = tpu.memref_slice %arg4[%add3A_73, %dma_wait3A_205] : memref<81920x128xf32, #tpu.memory_space<hbm>> -> memref<128x128xf32, #tpu.memory_space<hbm>>
      tpu.wait_dma2 semaphore(%run_scoped3A : memref<!tpu.dma_semaphore, #tpu.memory_space<semaphore_mem>>) src(%arg7 : memref<128x128xf32, #tpu.memory_space<vmem>>) dst(%dma_wait3A_206 : memref<128x128xf32, #tpu.memory_space<hbm>>)
      tpu.yield
    }) : () -> ()
    %add3A_74 = arith.constant 1024 : i32
    %add3A_75 = arith.addi %mul3A_2, %add3A_74 : i32
    "tpu.region"() ({
      %run_scoped3A = tpu.sem_alloc : memref<!tpu.dma_semaphore, #tpu.memory_space<semaphore_mem>>
      %dma_start3A_199 = tpu.memref_slice %arg3[%add3A_75] : memref<81920xi32, #tpu.memory_space<hbm>> -> memref<128xi32, #tpu.memory_space<hbm>>
      %dma_start3A_200 = tpu.memref_slice %arg3[%add3A_75] : memref<81920xi32, #tpu.memory_space<hbm>> -> memref<128xi32, #tpu.memory_space<hbm>>
      tpu.enqueue_dma source(%dma_start3A_200 : memref<128xi32, #tpu.memory_space<hbm>>) target(%arg5 : memref<128xi32, #tpu.memory_space<vmem>>) target_semaphore(%run_scoped3A : memref<!tpu.dma_semaphore, #tpu.memory_space<semaphore_mem>>)
      %dma_wait3A_201 = tpu.memref_slice %arg3[%add3A_75] : memref<81920xi32, #tpu.memory_space<hbm>> -> memref<128xi32, #tpu.memory_space<hbm>>
      %dma_wait3A_202 = tpu.memref_slice %arg3[%add3A_75] : memref<81920xi32, #tpu.memory_space<hbm>> -> memref<128xi32, #tpu.memory_space<hbm>>
      tpu.wait_dma2 semaphore(%run_scoped3A : memref<!tpu.dma_semaphore, #tpu.memory_space<semaphore_mem>>) src(%dma_wait3A_202 : memref<128xi32, #tpu.memory_space<hbm>>) dst(%arg5 : memref<128xi32, #tpu.memory_space<vmem>>)
      tpu.yield
    }) : () -> ()
    %dma_start3A_76 = arith.constant 0 : i32
    %dma_start3A_77 = arith.constant 0 : i32
    %dma_start3A_78 = tpu.memref_slice %arg2[%dma_start3A_76, %dma_start3A_77] : memref<4096x128xf32, #tpu.memory_space<hbm>> -> memref<4096x128xf32, #tpu.memory_space<hbm>>
    tpu.enqueue_indirect_dma source(%dma_start3A_78 : memref<4096x128xf32, #tpu.memory_space<hbm>>) target(%arg7 : memref<128x128xf32, #tpu.memory_space<vmem>>) offsets(%arg5 : memref<128xi32, #tpu.memory_space<vmem>>) semaphore(%arg9 : memref<!tpu.dma_semaphore, #tpu.memory_space<semaphore_mem>>)
    %dma_wait3A_79 = arith.constant 0 : i32
    %dma_wait3A_80 = arith.constant 0 : i32
    %dma_wait3A_81 = tpu.memref_slice %arg2[%dma_wait3A_79, %dma_wait3A_80] : memref<4096x128xf32, #tpu.memory_space<hbm>> -> memref<4096x128xf32, #tpu.memory_space<hbm>>
    tpu.wait_indirect_dma semaphore(%arg10 : memref<!tpu.dma_semaphore, #tpu.memory_space<semaphore_mem>>) src(%dma_wait3A_81 : memref<4096x128xf32, #tpu.memory_space<hbm>>) dst(%arg8 : memref<128x128xf32, #tpu.memory_space<vmem>>)
    %add3A_82 = arith.constant 896 : i32
    %add3A_83 = arith.addi %mul3A_2, %add3A_82 : i32
    "tpu.region"() ({
      %run_scoped3A = tpu.sem_alloc : memref<!tpu.dma_semaphore, #tpu.memory_space<semaphore_mem>>
      %dma_start3A_199 = arith.constant 0 : i32
      %dma_start3A_200 = tpu.memref_slice %arg4[%add3A_83, %dma_start3A_199] : memref<81920x128xf32, #tpu.memory_space<hbm>> -> memref<128x128xf32, #tpu.memory_space<hbm>>
      %dma_start3A_201 = arith.constant 0 : i32
      %dma_start3A_202 = tpu.memref_slice %arg4[%add3A_83, %dma_start3A_201] : memref<81920x128xf32, #tpu.memory_space<hbm>> -> memref<128x128xf32, #tpu.memory_space<hbm>>
      tpu.enqueue_dma source(%arg8 : memref<128x128xf32, #tpu.memory_space<vmem>>) target(%dma_start3A_202 : memref<128x128xf32, #tpu.memory_space<hbm>>) target_semaphore(%run_scoped3A : memref<!tpu.dma_semaphore, #tpu.memory_space<semaphore_mem>>)
      %dma_wait3A_203 = arith.constant 0 : i32
      %dma_wait3A_204 = tpu.memref_slice %arg4[%add3A_83, %dma_wait3A_203] : memref<81920x128xf32, #tpu.memory_space<hbm>> -> memref<128x128xf32, #tpu.memory_space<hbm>>
      %dma_wait3A_205 = arith.constant 0 : i32
      %dma_wait3A_206 = tpu.memref_slice %arg4[%add3A_83, %dma_wait3A_205] : memref<81920x128xf32, #tpu.memory_space<hbm>> -> memref<128x128xf32, #tpu.memory_space<hbm>>
      tpu.wait_dma2 semaphore(%run_scoped3A : memref<!tpu.dma_semaphore, #tpu.memory_space<semaphore_mem>>) src(%arg8 : memref<128x128xf32, #tpu.memory_space<vmem>>) dst(%dma_wait3A_206 : memref<128x128xf32, #tpu.memory_space<hbm>>)
      tpu.yield
    }) : () -> ()
    %add3A_84 = arith.constant 1152 : i32
    %add3A_85 = arith.addi %mul3A_2, %add3A_84 : i32
    "tpu.region"() ({
      %run_scoped3A = tpu.sem_alloc : memref<!tpu.dma_semaphore, #tpu.memory_space<semaphore_mem>>
      %dma_start3A_199 = tpu.memref_slice %arg3[%add3A_85] : memref<81920xi32, #tpu.memory_space<hbm>> -> memref<128xi32, #tpu.memory_space<hbm>>
      %dma_start3A_200 = tpu.memref_slice %arg3[%add3A_85] : memref<81920xi32, #tpu.memory_space<hbm>> -> memref<128xi32, #tpu.memory_space<hbm>>
      tpu.enqueue_dma source(%dma_start3A_200 : memref<128xi32, #tpu.memory_space<hbm>>) target(%arg6 : memref<128xi32, #tpu.memory_space<vmem>>) target_semaphore(%run_scoped3A : memref<!tpu.dma_semaphore, #tpu.memory_space<semaphore_mem>>)
      %dma_wait3A_201 = tpu.memref_slice %arg3[%add3A_85] : memref<81920xi32, #tpu.memory_space<hbm>> -> memref<128xi32, #tpu.memory_space<hbm>>
      %dma_wait3A_202 = tpu.memref_slice %arg3[%add3A_85] : memref<81920xi32, #tpu.memory_space<hbm>> -> memref<128xi32, #tpu.memory_space<hbm>>
      tpu.wait_dma2 semaphore(%run_scoped3A : memref<!tpu.dma_semaphore, #tpu.memory_space<semaphore_mem>>) src(%dma_wait3A_202 : memref<128xi32, #tpu.memory_space<hbm>>) dst(%arg6 : memref<128xi32, #tpu.memory_space<vmem>>)
      tpu.yield
    }) : () -> ()
    %dma_start3A_86 = arith.constant 0 : i32
    %dma_start3A_87 = arith.constant 0 : i32
    %dma_start3A_88 = tpu.memref_slice %arg2[%dma_start3A_86, %dma_start3A_87] : memref<4096x128xf32, #tpu.memory_space<hbm>> -> memref<4096x128xf32, #tpu.memory_space<hbm>>
    tpu.enqueue_indirect_dma source(%dma_start3A_88 : memref<4096x128xf32, #tpu.memory_space<hbm>>) target(%arg8 : memref<128x128xf32, #tpu.memory_space<vmem>>) offsets(%arg6 : memref<128xi32, #tpu.memory_space<vmem>>) semaphore(%arg10 : memref<!tpu.dma_semaphore, #tpu.memory_space<semaphore_mem>>)
    %dma_wait3A_89 = arith.constant 0 : i32
    %dma_wait3A_90 = arith.constant 0 : i32
    %dma_wait3A_91 = tpu.memref_slice %arg2[%dma_wait3A_89, %dma_wait3A_90] : memref<4096x128xf32, #tpu.memory_space<hbm>> -> memref<4096x128xf32, #tpu.memory_space<hbm>>
    tpu.wait_indirect_dma semaphore(%arg9 : memref<!tpu.dma_semaphore, #tpu.memory_space<semaphore_mem>>) src(%dma_wait3A_91 : memref<4096x128xf32, #tpu.memory_space<hbm>>) dst(%arg7 : memref<128x128xf32, #tpu.memory_space<vmem>>)
    %add3A_92 = arith.constant 1024 : i32
    %add3A_93 = arith.addi %mul3A_2, %add3A_92 : i32
    "tpu.region"() ({
      %run_scoped3A = tpu.sem_alloc : memref<!tpu.dma_semaphore, #tpu.memory_space<semaphore_mem>>
      %dma_start3A_199 = arith.constant 0 : i32
      %dma_start3A_200 = tpu.memref_slice %arg4[%add3A_93, %dma_start3A_199] : memref<81920x128xf32, #tpu.memory_space<hbm>> -> memref<128x128xf32, #tpu.memory_space<hbm>>
      %dma_start3A_201 = arith.constant 0 : i32
      %dma_start3A_202 = tpu.memref_slice %arg4[%add3A_93, %dma_start3A_201] : memref<81920x128xf32, #tpu.memory_space<hbm>> -> memref<128x128xf32, #tpu.memory_space<hbm>>
      tpu.enqueue_dma source(%arg7 : memref<128x128xf32, #tpu.memory_space<vmem>>) target(%dma_start3A_202 : memref<128x128xf32, #tpu.memory_space<hbm>>) target_semaphore(%run_scoped3A : memref<!tpu.dma_semaphore, #tpu.memory_space<semaphore_mem>>)
      %dma_wait3A_203 = arith.constant 0 : i32
      %dma_wait3A_204 = tpu.memref_slice %arg4[%add3A_93, %dma_wait3A_203] : memref<81920x128xf32, #tpu.memory_space<hbm>> -> memref<128x128xf32, #tpu.memory_space<hbm>>
      %dma_wait3A_205 = arith.constant 0 : i32
      %dma_wait3A_206 = tpu.memref_slice %arg4[%add3A_93, %dma_wait3A_205] : memref<81920x128xf32, #tpu.memory_space<hbm>> -> memref<128x128xf32, #tpu.memory_space<hbm>>
      tpu.wait_dma2 semaphore(%run_scoped3A : memref<!tpu.dma_semaphore, #tpu.memory_space<semaphore_mem>>) src(%arg7 : memref<128x128xf32, #tpu.memory_space<vmem>>) dst(%dma_wait3A_206 : memref<128x128xf32, #tpu.memory_space<hbm>>)
      tpu.yield
    }) : () -> ()
    %add3A_94 = arith.constant 1280 : i32
    %add3A_95 = arith.addi %mul3A_2, %add3A_94 : i32
    "tpu.region"() ({
      %run_scoped3A = tpu.sem_alloc : memref<!tpu.dma_semaphore, #tpu.memory_space<semaphore_mem>>
      %dma_start3A_199 = tpu.memref_slice %arg3[%add3A_95] : memref<81920xi32, #tpu.memory_space<hbm>> -> memref<128xi32, #tpu.memory_space<hbm>>
      %dma_start3A_200 = tpu.memref_slice %arg3[%add3A_95] : memref<81920xi32, #tpu.memory_space<hbm>> -> memref<128xi32, #tpu.memory_space<hbm>>
      tpu.enqueue_dma source(%dma_start3A_200 : memref<128xi32, #tpu.memory_space<hbm>>) target(%arg5 : memref<128xi32, #tpu.memory_space<vmem>>) target_semaphore(%run_scoped3A : memref<!tpu.dma_semaphore, #tpu.memory_space<semaphore_mem>>)
      %dma_wait3A_201 = tpu.memref_slice %arg3[%add3A_95] : memref<81920xi32, #tpu.memory_space<hbm>> -> memref<128xi32, #tpu.memory_space<hbm>>
      %dma_wait3A_202 = tpu.memref_slice %arg3[%add3A_95] : memref<81920xi32, #tpu.memory_space<hbm>> -> memref<128xi32, #tpu.memory_space<hbm>>
      tpu.wait_dma2 semaphore(%run_scoped3A : memref<!tpu.dma_semaphore, #tpu.memory_space<semaphore_mem>>) src(%dma_wait3A_202 : memref<128xi32, #tpu.memory_space<hbm>>) dst(%arg5 : memref<128xi32, #tpu.memory_space<vmem>>)
      tpu.yield
    }) : () -> ()
    %dma_start3A_96 = arith.constant 0 : i32
    %dma_start3A_97 = arith.constant 0 : i32
    %dma_start3A_98 = tpu.memref_slice %arg2[%dma_start3A_96, %dma_start3A_97] : memref<4096x128xf32, #tpu.memory_space<hbm>> -> memref<4096x128xf32, #tpu.memory_space<hbm>>
    tpu.enqueue_indirect_dma source(%dma_start3A_98 : memref<4096x128xf32, #tpu.memory_space<hbm>>) target(%arg7 : memref<128x128xf32, #tpu.memory_space<vmem>>) offsets(%arg5 : memref<128xi32, #tpu.memory_space<vmem>>) semaphore(%arg9 : memref<!tpu.dma_semaphore, #tpu.memory_space<semaphore_mem>>)
    %dma_wait3A_99 = arith.constant 0 : i32
    %dma_wait3A_100 = arith.constant 0 : i32
    %dma_wait3A_101 = tpu.memref_slice %arg2[%dma_wait3A_99, %dma_wait3A_100] : memref<4096x128xf32, #tpu.memory_space<hbm>> -> memref<4096x128xf32, #tpu.memory_space<hbm>>
    tpu.wait_indirect_dma semaphore(%arg10 : memref<!tpu.dma_semaphore, #tpu.memory_space<semaphore_mem>>) src(%dma_wait3A_101 : memref<4096x128xf32, #tpu.memory_space<hbm>>) dst(%arg8 : memref<128x128xf32, #tpu.memory_space<vmem>>)
    %add3A_102 = arith.constant 1152 : i32
    %add3A_103 = arith.addi %mul3A_2, %add3A_102 : i32
    "tpu.region"() ({
      %run_scoped3A = tpu.sem_alloc : memref<!tpu.dma_semaphore, #tpu.memory_space<semaphore_mem>>
      %dma_start3A_199 = arith.constant 0 : i32
      %dma_start3A_200 = tpu.memref_slice %arg4[%add3A_103, %dma_start3A_199] : memref<81920x128xf32, #tpu.memory_space<hbm>> -> memref<128x128xf32, #tpu.memory_space<hbm>>
      %dma_start3A_201 = arith.constant 0 : i32
      %dma_start3A_202 = tpu.memref_slice %arg4[%add3A_103, %dma_start3A_201] : memref<81920x128xf32, #tpu.memory_space<hbm>> -> memref<128x128xf32, #tpu.memory_space<hbm>>
      tpu.enqueue_dma source(%arg8 : memref<128x128xf32, #tpu.memory_space<vmem>>) target(%dma_start3A_202 : memref<128x128xf32, #tpu.memory_space<hbm>>) target_semaphore(%run_scoped3A : memref<!tpu.dma_semaphore, #tpu.memory_space<semaphore_mem>>)
      %dma_wait3A_203 = arith.constant 0 : i32
      %dma_wait3A_204 = tpu.memref_slice %arg4[%add3A_103, %dma_wait3A_203] : memref<81920x128xf32, #tpu.memory_space<hbm>> -> memref<128x128xf32, #tpu.memory_space<hbm>>
      %dma_wait3A_205 = arith.constant 0 : i32
      %dma_wait3A_206 = tpu.memref_slice %arg4[%add3A_103, %dma_wait3A_205] : memref<81920x128xf32, #tpu.memory_space<hbm>> -> memref<128x128xf32, #tpu.memory_space<hbm>>
      tpu.wait_dma2 semaphore(%run_scoped3A : memref<!tpu.dma_semaphore, #tpu.memory_space<semaphore_mem>>) src(%arg8 : memref<128x128xf32, #tpu.memory_space<vmem>>) dst(%dma_wait3A_206 : memref<128x128xf32, #tpu.memory_space<hbm>>)
      tpu.yield
    }) : () -> ()
    %add3A_104 = arith.constant 1408 : i32
    %add3A_105 = arith.addi %mul3A_2, %add3A_104 : i32
    "tpu.region"() ({
      %run_scoped3A = tpu.sem_alloc : memref<!tpu.dma_semaphore, #tpu.memory_space<semaphore_mem>>
      %dma_start3A_199 = tpu.memref_slice %arg3[%add3A_105] : memref<81920xi32, #tpu.memory_space<hbm>> -> memref<128xi32, #tpu.memory_space<hbm>>
      %dma_start3A_200 = tpu.memref_slice %arg3[%add3A_105] : memref<81920xi32, #tpu.memory_space<hbm>> -> memref<128xi32, #tpu.memory_space<hbm>>
      tpu.enqueue_dma source(%dma_start3A_200 : memref<128xi32, #tpu.memory_space<hbm>>) target(%arg6 : memref<128xi32, #tpu.memory_space<vmem>>) target_semaphore(%run_scoped3A : memref<!tpu.dma_semaphore, #tpu.memory_space<semaphore_mem>>)
      %dma_wait3A_201 = tpu.memref_slice %arg3[%add3A_105] : memref<81920xi32, #tpu.memory_space<hbm>> -> memref<128xi32, #tpu.memory_space<hbm>>
      %dma_wait3A_202 = tpu.memref_slice %arg3[%add3A_105] : memref<81920xi32, #tpu.memory_space<hbm>> -> memref<128xi32, #tpu.memory_space<hbm>>
      tpu.wait_dma2 semaphore(%run_scoped3A : memref<!tpu.dma_semaphore, #tpu.memory_space<semaphore_mem>>) src(%dma_wait3A_202 : memref<128xi32, #tpu.memory_space<hbm>>) dst(%arg6 : memref<128xi32, #tpu.memory_space<vmem>>)
      tpu.yield
    }) : () -> ()
    %dma_start3A_106 = arith.constant 0 : i32
    %dma_start3A_107 = arith.constant 0 : i32
    %dma_start3A_108 = tpu.memref_slice %arg2[%dma_start3A_106, %dma_start3A_107] : memref<4096x128xf32, #tpu.memory_space<hbm>> -> memref<4096x128xf32, #tpu.memory_space<hbm>>
    tpu.enqueue_indirect_dma source(%dma_start3A_108 : memref<4096x128xf32, #tpu.memory_space<hbm>>) target(%arg8 : memref<128x128xf32, #tpu.memory_space<vmem>>) offsets(%arg6 : memref<128xi32, #tpu.memory_space<vmem>>) semaphore(%arg10 : memref<!tpu.dma_semaphore, #tpu.memory_space<semaphore_mem>>)
    %dma_wait3A_109 = arith.constant 0 : i32
    %dma_wait3A_110 = arith.constant 0 : i32
    %dma_wait3A_111 = tpu.memref_slice %arg2[%dma_wait3A_109, %dma_wait3A_110] : memref<4096x128xf32, #tpu.memory_space<hbm>> -> memref<4096x128xf32, #tpu.memory_space<hbm>>
    tpu.wait_indirect_dma semaphore(%arg9 : memref<!tpu.dma_semaphore, #tpu.memory_space<semaphore_mem>>) src(%dma_wait3A_111 : memref<4096x128xf32, #tpu.memory_space<hbm>>) dst(%arg7 : memref<128x128xf32, #tpu.memory_space<vmem>>)
    %add3A_112 = arith.constant 1280 : i32
    %add3A_113 = arith.addi %mul3A_2, %add3A_112 : i32
    "tpu.region"() ({
      %run_scoped3A = tpu.sem_alloc : memref<!tpu.dma_semaphore, #tpu.memory_space<semaphore_mem>>
      %dma_start3A_199 = arith.constant 0 : i32
      %dma_start3A_200 = tpu.memref_slice %arg4[%add3A_113, %dma_start3A_199] : memref<81920x128xf32, #tpu.memory_space<hbm>> -> memref<128x128xf32, #tpu.memory_space<hbm>>
      %dma_start3A_201 = arith.constant 0 : i32
      %dma_start3A_202 = tpu.memref_slice %arg4[%add3A_113, %dma_start3A_201] : memref<81920x128xf32, #tpu.memory_space<hbm>> -> memref<128x128xf32, #tpu.memory_space<hbm>>
      tpu.enqueue_dma source(%arg7 : memref<128x128xf32, #tpu.memory_space<vmem>>) target(%dma_start3A_202 : memref<128x128xf32, #tpu.memory_space<hbm>>) target_semaphore(%run_scoped3A : memref<!tpu.dma_semaphore, #tpu.memory_space<semaphore_mem>>)
      %dma_wait3A_203 = arith.constant 0 : i32
      %dma_wait3A_204 = tpu.memref_slice %arg4[%add3A_113, %dma_wait3A_203] : memref<81920x128xf32, #tpu.memory_space<hbm>> -> memref<128x128xf32, #tpu.memory_space<hbm>>
      %dma_wait3A_205 = arith.constant 0 : i32
      %dma_wait3A_206 = tpu.memref_slice %arg4[%add3A_113, %dma_wait3A_205] : memref<81920x128xf32, #tpu.memory_space<hbm>> -> memref<128x128xf32, #tpu.memory_space<hbm>>
      tpu.wait_dma2 semaphore(%run_scoped3A : memref<!tpu.dma_semaphore, #tpu.memory_space<semaphore_mem>>) src(%arg7 : memref<128x128xf32, #tpu.memory_space<vmem>>) dst(%dma_wait3A_206 : memref<128x128xf32, #tpu.memory_space<hbm>>)
      tpu.yield
    }) : () -> ()
    %add3A_114 = arith.constant 1536 : i32
    %add3A_115 = arith.addi %mul3A_2, %add3A_114 : i32
    "tpu.region"() ({
      %run_scoped3A = tpu.sem_alloc : memref<!tpu.dma_semaphore, #tpu.memory_space<semaphore_mem>>
      %dma_start3A_199 = tpu.memref_slice %arg3[%add3A_115] : memref<81920xi32, #tpu.memory_space<hbm>> -> memref<128xi32, #tpu.memory_space<hbm>>
      %dma_start3A_200 = tpu.memref_slice %arg3[%add3A_115] : memref<81920xi32, #tpu.memory_space<hbm>> -> memref<128xi32, #tpu.memory_space<hbm>>
      tpu.enqueue_dma source(%dma_start3A_200 : memref<128xi32, #tpu.memory_space<hbm>>) target(%arg5 : memref<128xi32, #tpu.memory_space<vmem>>) target_semaphore(%run_scoped3A : memref<!tpu.dma_semaphore, #tpu.memory_space<semaphore_mem>>)
      %dma_wait3A_201 = tpu.memref_slice %arg3[%add3A_115] : memref<81920xi32, #tpu.memory_space<hbm>> -> memref<128xi32, #tpu.memory_space<hbm>>
      %dma_wait3A_202 = tpu.memref_slice %arg3[%add3A_115] : memref<81920xi32, #tpu.memory_space<hbm>> -> memref<128xi32, #tpu.memory_space<hbm>>
      tpu.wait_dma2 semaphore(%run_scoped3A : memref<!tpu.dma_semaphore, #tpu.memory_space<semaphore_mem>>) src(%dma_wait3A_202 : memref<128xi32, #tpu.memory_space<hbm>>) dst(%arg5 : memref<128xi32, #tpu.memory_space<vmem>>)
      tpu.yield
    }) : () -> ()
    %dma_start3A_116 = arith.constant 0 : i32
    %dma_start3A_117 = arith.constant 0 : i32
    %dma_start3A_118 = tpu.memref_slice %arg2[%dma_start3A_116, %dma_start3A_117] : memref<4096x128xf32, #tpu.memory_space<hbm>> -> memref<4096x128xf32, #tpu.memory_space<hbm>>
    tpu.enqueue_indirect_dma source(%dma_start3A_118 : memref<4096x128xf32, #tpu.memory_space<hbm>>) target(%arg7 : memref<128x128xf32, #tpu.memory_space<vmem>>) offsets(%arg5 : memref<128xi32, #tpu.memory_space<vmem>>) semaphore(%arg9 : memref<!tpu.dma_semaphore, #tpu.memory_space<semaphore_mem>>)
    %dma_wait3A_119 = arith.constant 0 : i32
    %dma_wait3A_120 = arith.constant 0 : i32
    %dma_wait3A_121 = tpu.memref_slice %arg2[%dma_wait3A_119, %dma_wait3A_120] : memref<4096x128xf32, #tpu.memory_space<hbm>> -> memref<4096x128xf32, #tpu.memory_space<hbm>>
    tpu.wait_indirect_dma semaphore(%arg10 : memref<!tpu.dma_semaphore, #tpu.memory_space<semaphore_mem>>) src(%dma_wait3A_121 : memref<4096x128xf32, #tpu.memory_space<hbm>>) dst(%arg8 : memref<128x128xf32, #tpu.memory_space<vmem>>)
    %add3A_122 = arith.constant 1408 : i32
    %add3A_123 = arith.addi %mul3A_2, %add3A_122 : i32
    "tpu.region"() ({
      %run_scoped3A = tpu.sem_alloc : memref<!tpu.dma_semaphore, #tpu.memory_space<semaphore_mem>>
      %dma_start3A_199 = arith.constant 0 : i32
      %dma_start3A_200 = tpu.memref_slice %arg4[%add3A_123, %dma_start3A_199] : memref<81920x128xf32, #tpu.memory_space<hbm>> -> memref<128x128xf32, #tpu.memory_space<hbm>>
      %dma_start3A_201 = arith.constant 0 : i32
      %dma_start3A_202 = tpu.memref_slice %arg4[%add3A_123, %dma_start3A_201] : memref<81920x128xf32, #tpu.memory_space<hbm>> -> memref<128x128xf32, #tpu.memory_space<hbm>>
      tpu.enqueue_dma source(%arg8 : memref<128x128xf32, #tpu.memory_space<vmem>>) target(%dma_start3A_202 : memref<128x128xf32, #tpu.memory_space<hbm>>) target_semaphore(%run_scoped3A : memref<!tpu.dma_semaphore, #tpu.memory_space<semaphore_mem>>)
      %dma_wait3A_203 = arith.constant 0 : i32
      %dma_wait3A_204 = tpu.memref_slice %arg4[%add3A_123, %dma_wait3A_203] : memref<81920x128xf32, #tpu.memory_space<hbm>> -> memref<128x128xf32, #tpu.memory_space<hbm>>
      %dma_wait3A_205 = arith.constant 0 : i32
      %dma_wait3A_206 = tpu.memref_slice %arg4[%add3A_123, %dma_wait3A_205] : memref<81920x128xf32, #tpu.memory_space<hbm>> -> memref<128x128xf32, #tpu.memory_space<hbm>>
      tpu.wait_dma2 semaphore(%run_scoped3A : memref<!tpu.dma_semaphore, #tpu.memory_space<semaphore_mem>>) src(%arg8 : memref<128x128xf32, #tpu.memory_space<vmem>>) dst(%dma_wait3A_206 : memref<128x128xf32, #tpu.memory_space<hbm>>)
      tpu.yield
    }) : () -> ()
    %add3A_124 = arith.constant 1664 : i32
    %add3A_125 = arith.addi %mul3A_2, %add3A_124 : i32
    "tpu.region"() ({
      %run_scoped3A = tpu.sem_alloc : memref<!tpu.dma_semaphore, #tpu.memory_space<semaphore_mem>>
      %dma_start3A_199 = tpu.memref_slice %arg3[%add3A_125] : memref<81920xi32, #tpu.memory_space<hbm>> -> memref<128xi32, #tpu.memory_space<hbm>>
      %dma_start3A_200 = tpu.memref_slice %arg3[%add3A_125] : memref<81920xi32, #tpu.memory_space<hbm>> -> memref<128xi32, #tpu.memory_space<hbm>>
      tpu.enqueue_dma source(%dma_start3A_200 : memref<128xi32, #tpu.memory_space<hbm>>) target(%arg6 : memref<128xi32, #tpu.memory_space<vmem>>) target_semaphore(%run_scoped3A : memref<!tpu.dma_semaphore, #tpu.memory_space<semaphore_mem>>)
      %dma_wait3A_201 = tpu.memref_slice %arg3[%add3A_125] : memref<81920xi32, #tpu.memory_space<hbm>> -> memref<128xi32, #tpu.memory_space<hbm>>
      %dma_wait3A_202 = tpu.memref_slice %arg3[%add3A_125] : memref<81920xi32, #tpu.memory_space<hbm>> -> memref<128xi32, #tpu.memory_space<hbm>>
      tpu.wait_dma2 semaphore(%run_scoped3A : memref<!tpu.dma_semaphore, #tpu.memory_space<semaphore_mem>>) src(%dma_wait3A_202 : memref<128xi32, #tpu.memory_space<hbm>>) dst(%arg6 : memref<128xi32, #tpu.memory_space<vmem>>)
      tpu.yield
    }) : () -> ()
    %dma_start3A_126 = arith.constant 0 : i32
    %dma_start3A_127 = arith.constant 0 : i32
    %dma_start3A_128 = tpu.memref_slice %arg2[%dma_start3A_126, %dma_start3A_127] : memref<4096x128xf32, #tpu.memory_space<hbm>> -> memref<4096x128xf32, #tpu.memory_space<hbm>>
    tpu.enqueue_indirect_dma source(%dma_start3A_128 : memref<4096x128xf32, #tpu.memory_space<hbm>>) target(%arg8 : memref<128x128xf32, #tpu.memory_space<vmem>>) offsets(%arg6 : memref<128xi32, #tpu.memory_space<vmem>>) semaphore(%arg10 : memref<!tpu.dma_semaphore, #tpu.memory_space<semaphore_mem>>)
    %dma_wait3A_129 = arith.constant 0 : i32
    %dma_wait3A_130 = arith.constant 0 : i32
    %dma_wait3A_131 = tpu.memref_slice %arg2[%dma_wait3A_129, %dma_wait3A_130] : memref<4096x128xf32, #tpu.memory_space<hbm>> -> memref<4096x128xf32, #tpu.memory_space<hbm>>
    tpu.wait_indirect_dma semaphore(%arg9 : memref<!tpu.dma_semaphore, #tpu.memory_space<semaphore_mem>>) src(%dma_wait3A_131 : memref<4096x128xf32, #tpu.memory_space<hbm>>) dst(%arg7 : memref<128x128xf32, #tpu.memory_space<vmem>>)
    %add3A_132 = arith.constant 1536 : i32
    %add3A_133 = arith.addi %mul3A_2, %add3A_132 : i32
    "tpu.region"() ({
      %run_scoped3A = tpu.sem_alloc : memref<!tpu.dma_semaphore, #tpu.memory_space<semaphore_mem>>
      %dma_start3A_199 = arith.constant 0 : i32
      %dma_start3A_200 = tpu.memref_slice %arg4[%add3A_133, %dma_start3A_199] : memref<81920x128xf32, #tpu.memory_space<hbm>> -> memref<128x128xf32, #tpu.memory_space<hbm>>
      %dma_start3A_201 = arith.constant 0 : i32
      %dma_start3A_202 = tpu.memref_slice %arg4[%add3A_133, %dma_start3A_201] : memref<81920x128xf32, #tpu.memory_space<hbm>> -> memref<128x128xf32, #tpu.memory_space<hbm>>
      tpu.enqueue_dma source(%arg7 : memref<128x128xf32, #tpu.memory_space<vmem>>) target(%dma_start3A_202 : memref<128x128xf32, #tpu.memory_space<hbm>>) target_semaphore(%run_scoped3A : memref<!tpu.dma_semaphore, #tpu.memory_space<semaphore_mem>>)
      %dma_wait3A_203 = arith.constant 0 : i32
      %dma_wait3A_204 = tpu.memref_slice %arg4[%add3A_133, %dma_wait3A_203] : memref<81920x128xf32, #tpu.memory_space<hbm>> -> memref<128x128xf32, #tpu.memory_space<hbm>>
      %dma_wait3A_205 = arith.constant 0 : i32
      %dma_wait3A_206 = tpu.memref_slice %arg4[%add3A_133, %dma_wait3A_205] : memref<81920x128xf32, #tpu.memory_space<hbm>> -> memref<128x128xf32, #tpu.memory_space<hbm>>
      tpu.wait_dma2 semaphore(%run_scoped3A : memref<!tpu.dma_semaphore, #tpu.memory_space<semaphore_mem>>) src(%arg7 : memref<128x128xf32, #tpu.memory_space<vmem>>) dst(%dma_wait3A_206 : memref<128x128xf32, #tpu.memory_space<hbm>>)
      tpu.yield
    }) : () -> ()
    %add3A_134 = arith.constant 1792 : i32
    %add3A_135 = arith.addi %mul3A_2, %add3A_134 : i32
    "tpu.region"() ({
      %run_scoped3A = tpu.sem_alloc : memref<!tpu.dma_semaphore, #tpu.memory_space<semaphore_mem>>
      %dma_start3A_199 = tpu.memref_slice %arg3[%add3A_135] : memref<81920xi32, #tpu.memory_space<hbm>> -> memref<128xi32, #tpu.memory_space<hbm>>
      %dma_start3A_200 = tpu.memref_slice %arg3[%add3A_135] : memref<81920xi32, #tpu.memory_space<hbm>> -> memref<128xi32, #tpu.memory_space<hbm>>
      tpu.enqueue_dma source(%dma_start3A_200 : memref<128xi32, #tpu.memory_space<hbm>>) target(%arg5 : memref<128xi32, #tpu.memory_space<vmem>>) target_semaphore(%run_scoped3A : memref<!tpu.dma_semaphore, #tpu.memory_space<semaphore_mem>>)
      %dma_wait3A_201 = tpu.memref_slice %arg3[%add3A_135] : memref<81920xi32, #tpu.memory_space<hbm>> -> memref<128xi32, #tpu.memory_space<hbm>>
      %dma_wait3A_202 = tpu.memref_slice %arg3[%add3A_135] : memref<81920xi32, #tpu.memory_space<hbm>> -> memref<128xi32, #tpu.memory_space<hbm>>
      tpu.wait_dma2 semaphore(%run_scoped3A : memref<!tpu.dma_semaphore, #tpu.memory_space<semaphore_mem>>) src(%dma_wait3A_202 : memref<128xi32, #tpu.memory_space<hbm>>) dst(%arg5 : memref<128xi32, #tpu.memory_space<vmem>>)
      tpu.yield
    }) : () -> ()
    %dma_start3A_136 = arith.constant 0 : i32
    %dma_start3A_137 = arith.constant 0 : i32
    %dma_start3A_138 = tpu.memref_slice %arg2[%dma_start3A_136, %dma_start3A_137] : memref<4096x128xf32, #tpu.memory_space<hbm>> -> memref<4096x128xf32, #tpu.memory_space<hbm>>
    tpu.enqueue_indirect_dma source(%dma_start3A_138 : memref<4096x128xf32, #tpu.memory_space<hbm>>) target(%arg7 : memref<128x128xf32, #tpu.memory_space<vmem>>) offsets(%arg5 : memref<128xi32, #tpu.memory_space<vmem>>) semaphore(%arg9 : memref<!tpu.dma_semaphore, #tpu.memory_space<semaphore_mem>>)
    %dma_wait3A_139 = arith.constant 0 : i32
    %dma_wait3A_140 = arith.constant 0 : i32
    %dma_wait3A_141 = tpu.memref_slice %arg2[%dma_wait3A_139, %dma_wait3A_140] : memref<4096x128xf32, #tpu.memory_space<hbm>> -> memref<4096x128xf32, #tpu.memory_space<hbm>>
    tpu.wait_indirect_dma semaphore(%arg10 : memref<!tpu.dma_semaphore, #tpu.memory_space<semaphore_mem>>) src(%dma_wait3A_141 : memref<4096x128xf32, #tpu.memory_space<hbm>>) dst(%arg8 : memref<128x128xf32, #tpu.memory_space<vmem>>)
    %add3A_142 = arith.constant 1664 : i32
    %add3A_143 = arith.addi %mul3A_2, %add3A_142 : i32
    "tpu.region"() ({
      %run_scoped3A = tpu.sem_alloc : memref<!tpu.dma_semaphore, #tpu.memory_space<semaphore_mem>>
      %dma_start3A_199 = arith.constant 0 : i32
      %dma_start3A_200 = tpu.memref_slice %arg4[%add3A_143, %dma_start3A_199] : memref<81920x128xf32, #tpu.memory_space<hbm>> -> memref<128x128xf32, #tpu.memory_space<hbm>>
      %dma_start3A_201 = arith.constant 0 : i32
      %dma_start3A_202 = tpu.memref_slice %arg4[%add3A_143, %dma_start3A_201] : memref<81920x128xf32, #tpu.memory_space<hbm>> -> memref<128x128xf32, #tpu.memory_space<hbm>>
      tpu.enqueue_dma source(%arg8 : memref<128x128xf32, #tpu.memory_space<vmem>>) target(%dma_start3A_202 : memref<128x128xf32, #tpu.memory_space<hbm>>) target_semaphore(%run_scoped3A : memref<!tpu.dma_semaphore, #tpu.memory_space<semaphore_mem>>)
      %dma_wait3A_203 = arith.constant 0 : i32
      %dma_wait3A_204 = tpu.memref_slice %arg4[%add3A_143, %dma_wait3A_203] : memref<81920x128xf32, #tpu.memory_space<hbm>> -> memref<128x128xf32, #tpu.memory_space<hbm>>
      %dma_wait3A_205 = arith.constant 0 : i32
      %dma_wait3A_206 = tpu.memref_slice %arg4[%add3A_143, %dma_wait3A_205] : memref<81920x128xf32, #tpu.memory_space<hbm>> -> memref<128x128xf32, #tpu.memory_space<hbm>>
      tpu.wait_dma2 semaphore(%run_scoped3A : memref<!tpu.dma_semaphore, #tpu.memory_space<semaphore_mem>>) src(%arg8 : memref<128x128xf32, #tpu.memory_space<vmem>>) dst(%dma_wait3A_206 : memref<128x128xf32, #tpu.memory_space<hbm>>)
      tpu.yield
    }) : () -> ()
    %add3A_144 = arith.constant 1920 : i32
    %add3A_145 = arith.addi %mul3A_2, %add3A_144 : i32
    "tpu.region"() ({
      %run_scoped3A = tpu.sem_alloc : memref<!tpu.dma_semaphore, #tpu.memory_space<semaphore_mem>>
      %dma_start3A_199 = tpu.memref_slice %arg3[%add3A_145] : memref<81920xi32, #tpu.memory_space<hbm>> -> memref<128xi32, #tpu.memory_space<hbm>>
      %dma_start3A_200 = tpu.memref_slice %arg3[%add3A_145] : memref<81920xi32, #tpu.memory_space<hbm>> -> memref<128xi32, #tpu.memory_space<hbm>>
      tpu.enqueue_dma source(%dma_start3A_200 : memref<128xi32, #tpu.memory_space<hbm>>) target(%arg6 : memref<128xi32, #tpu.memory_space<vmem>>) target_semaphore(%run_scoped3A : memref<!tpu.dma_semaphore, #tpu.memory_space<semaphore_mem>>)
      %dma_wait3A_201 = tpu.memref_slice %arg3[%add3A_145] : memref<81920xi32, #tpu.memory_space<hbm>> -> memref<128xi32, #tpu.memory_space<hbm>>
      %dma_wait3A_202 = tpu.memref_slice %arg3[%add3A_145] : memref<81920xi32, #tpu.memory_space<hbm>> -> memref<128xi32, #tpu.memory_space<hbm>>
      tpu.wait_dma2 semaphore(%run_scoped3A : memref<!tpu.dma_semaphore, #tpu.memory_space<semaphore_mem>>) src(%dma_wait3A_202 : memref<128xi32, #tpu.memory_space<hbm>>) dst(%arg6 : memref<128xi32, #tpu.memory_space<vmem>>)
      tpu.yield
    }) : () -> ()
    %dma_start3A_146 = arith.constant 0 : i32
    %dma_start3A_147 = arith.constant 0 : i32
    %dma_start3A_148 = tpu.memref_slice %arg2[%dma_start3A_146, %dma_start3A_147] : memref<4096x128xf32, #tpu.memory_space<hbm>> -> memref<4096x128xf32, #tpu.memory_space<hbm>>
    tpu.enqueue_indirect_dma source(%dma_start3A_148 : memref<4096x128xf32, #tpu.memory_space<hbm>>) target(%arg8 : memref<128x128xf32, #tpu.memory_space<vmem>>) offsets(%arg6 : memref<128xi32, #tpu.memory_space<vmem>>) semaphore(%arg10 : memref<!tpu.dma_semaphore, #tpu.memory_space<semaphore_mem>>)
    %dma_wait3A_149 = arith.constant 0 : i32
    %dma_wait3A_150 = arith.constant 0 : i32
    %dma_wait3A_151 = tpu.memref_slice %arg2[%dma_wait3A_149, %dma_wait3A_150] : memref<4096x128xf32, #tpu.memory_space<hbm>> -> memref<4096x128xf32, #tpu.memory_space<hbm>>
    tpu.wait_indirect_dma semaphore(%arg9 : memref<!tpu.dma_semaphore, #tpu.memory_space<semaphore_mem>>) src(%dma_wait3A_151 : memref<4096x128xf32, #tpu.memory_space<hbm>>) dst(%arg7 : memref<128x128xf32, #tpu.memory_space<vmem>>)
    %add3A_152 = arith.constant 1792 : i32
    %add3A_153 = arith.addi %mul3A_2, %add3A_152 : i32
    "tpu.region"() ({
      %run_scoped3A = tpu.sem_alloc : memref<!tpu.dma_semaphore, #tpu.memory_space<semaphore_mem>>
      %dma_start3A_199 = arith.constant 0 : i32
      %dma_start3A_200 = tpu.memref_slice %arg4[%add3A_153, %dma_start3A_199] : memref<81920x128xf32, #tpu.memory_space<hbm>> -> memref<128x128xf32, #tpu.memory_space<hbm>>
      %dma_start3A_201 = arith.constant 0 : i32
      %dma_start3A_202 = tpu.memref_slice %arg4[%add3A_153, %dma_start3A_201] : memref<81920x128xf32, #tpu.memory_space<hbm>> -> memref<128x128xf32, #tpu.memory_space<hbm>>
      tpu.enqueue_dma source(%arg7 : memref<128x128xf32, #tpu.memory_space<vmem>>) target(%dma_start3A_202 : memref<128x128xf32, #tpu.memory_space<hbm>>) target_semaphore(%run_scoped3A : memref<!tpu.dma_semaphore, #tpu.memory_space<semaphore_mem>>)
      %dma_wait3A_203 = arith.constant 0 : i32
      %dma_wait3A_204 = tpu.memref_slice %arg4[%add3A_153, %dma_wait3A_203] : memref<81920x128xf32, #tpu.memory_space<hbm>> -> memref<128x128xf32, #tpu.memory_space<hbm>>
      %dma_wait3A_205 = arith.constant 0 : i32
      %dma_wait3A_206 = tpu.memref_slice %arg4[%add3A_153, %dma_wait3A_205] : memref<81920x128xf32, #tpu.memory_space<hbm>> -> memref<128x128xf32, #tpu.memory_space<hbm>>
      tpu.wait_dma2 semaphore(%run_scoped3A : memref<!tpu.dma_semaphore, #tpu.memory_space<semaphore_mem>>) src(%arg7 : memref<128x128xf32, #tpu.memory_space<vmem>>) dst(%dma_wait3A_206 : memref<128x128xf32, #tpu.memory_space<hbm>>)
      tpu.yield
    }) : () -> ()
    %add3A_154 = arith.constant 2048 : i32
    %add3A_155 = arith.addi %mul3A_2, %add3A_154 : i32
    "tpu.region"() ({
      %run_scoped3A = tpu.sem_alloc : memref<!tpu.dma_semaphore, #tpu.memory_space<semaphore_mem>>
      %dma_start3A_199 = tpu.memref_slice %arg3[%add3A_155] : memref<81920xi32, #tpu.memory_space<hbm>> -> memref<128xi32, #tpu.memory_space<hbm>>
      %dma_start3A_200 = tpu.memref_slice %arg3[%add3A_155] : memref<81920xi32, #tpu.memory_space<hbm>> -> memref<128xi32, #tpu.memory_space<hbm>>
      tpu.enqueue_dma source(%dma_start3A_200 : memref<128xi32, #tpu.memory_space<hbm>>) target(%arg5 : memref<128xi32, #tpu.memory_space<vmem>>) target_semaphore(%run_scoped3A : memref<!tpu.dma_semaphore, #tpu.memory_space<semaphore_mem>>)
      %dma_wait3A_201 = tpu.memref_slice %arg3[%add3A_155] : memref<81920xi32, #tpu.memory_space<hbm>> -> memref<128xi32, #tpu.memory_space<hbm>>
      %dma_wait3A_202 = tpu.memref_slice %arg3[%add3A_155] : memref<81920xi32, #tpu.memory_space<hbm>> -> memref<128xi32, #tpu.memory_space<hbm>>
      tpu.wait_dma2 semaphore(%run_scoped3A : memref<!tpu.dma_semaphore, #tpu.memory_space<semaphore_mem>>) src(%dma_wait3A_202 : memref<128xi32, #tpu.memory_space<hbm>>) dst(%arg5 : memref<128xi32, #tpu.memory_space<vmem>>)
      tpu.yield
    }) : () -> ()
    %dma_start3A_156 = arith.constant 0 : i32
    %dma_start3A_157 = arith.constant 0 : i32
    %dma_start3A_158 = tpu.memref_slice %arg2[%dma_start3A_156, %dma_start3A_157] : memref<4096x128xf32, #tpu.memory_space<hbm>> -> memref<4096x128xf32, #tpu.memory_space<hbm>>
    tpu.enqueue_indirect_dma source(%dma_start3A_158 : memref<4096x128xf32, #tpu.memory_space<hbm>>) target(%arg7 : memref<128x128xf32, #tpu.memory_space<vmem>>) offsets(%arg5 : memref<128xi32, #tpu.memory_space<vmem>>) semaphore(%arg9 : memref<!tpu.dma_semaphore, #tpu.memory_space<semaphore_mem>>)
    %dma_wait3A_159 = arith.constant 0 : i32
    %dma_wait3A_160 = arith.constant 0 : i32
    %dma_wait3A_161 = tpu.memref_slice %arg2[%dma_wait3A_159, %dma_wait3A_160] : memref<4096x128xf32, #tpu.memory_space<hbm>> -> memref<4096x128xf32, #tpu.memory_space<hbm>>
    tpu.wait_indirect_dma semaphore(%arg10 : memref<!tpu.dma_semaphore, #tpu.memory_space<semaphore_mem>>) src(%dma_wait3A_161 : memref<4096x128xf32, #tpu.memory_space<hbm>>) dst(%arg8 : memref<128x128xf32, #tpu.memory_space<vmem>>)
    %add3A_162 = arith.constant 1920 : i32
    %add3A_163 = arith.addi %mul3A_2, %add3A_162 : i32
    "tpu.region"() ({
      %run_scoped3A = tpu.sem_alloc : memref<!tpu.dma_semaphore, #tpu.memory_space<semaphore_mem>>
      %dma_start3A_199 = arith.constant 0 : i32
      %dma_start3A_200 = tpu.memref_slice %arg4[%add3A_163, %dma_start3A_199] : memref<81920x128xf32, #tpu.memory_space<hbm>> -> memref<128x128xf32, #tpu.memory_space<hbm>>
      %dma_start3A_201 = arith.constant 0 : i32
      %dma_start3A_202 = tpu.memref_slice %arg4[%add3A_163, %dma_start3A_201] : memref<81920x128xf32, #tpu.memory_space<hbm>> -> memref<128x128xf32, #tpu.memory_space<hbm>>
      tpu.enqueue_dma source(%arg8 : memref<128x128xf32, #tpu.memory_space<vmem>>) target(%dma_start3A_202 : memref<128x128xf32, #tpu.memory_space<hbm>>) target_semaphore(%run_scoped3A : memref<!tpu.dma_semaphore, #tpu.memory_space<semaphore_mem>>)
      %dma_wait3A_203 = arith.constant 0 : i32
      %dma_wait3A_204 = tpu.memref_slice %arg4[%add3A_163, %dma_wait3A_203] : memref<81920x128xf32, #tpu.memory_space<hbm>> -> memref<128x128xf32, #tpu.memory_space<hbm>>
      %dma_wait3A_205 = arith.constant 0 : i32
      %dma_wait3A_206 = tpu.memref_slice %arg4[%add3A_163, %dma_wait3A_205] : memref<81920x128xf32, #tpu.memory_space<hbm>> -> memref<128x128xf32, #tpu.memory_space<hbm>>
      tpu.wait_dma2 semaphore(%run_scoped3A : memref<!tpu.dma_semaphore, #tpu.memory_space<semaphore_mem>>) src(%arg8 : memref<128x128xf32, #tpu.memory_space<vmem>>) dst(%dma_wait3A_206 : memref<128x128xf32, #tpu.memory_space<hbm>>)
      tpu.yield
    }) : () -> ()
    %add3A_164 = arith.constant 2176 : i32
    %add3A_165 = arith.addi %mul3A_2, %add3A_164 : i32
    "tpu.region"() ({
      %run_scoped3A = tpu.sem_alloc : memref<!tpu.dma_semaphore, #tpu.memory_space<semaphore_mem>>
      %dma_start3A_199 = tpu.memref_slice %arg3[%add3A_165] : memref<81920xi32, #tpu.memory_space<hbm>> -> memref<128xi32, #tpu.memory_space<hbm>>
      %dma_start3A_200 = tpu.memref_slice %arg3[%add3A_165] : memref<81920xi32, #tpu.memory_space<hbm>> -> memref<128xi32, #tpu.memory_space<hbm>>
      tpu.enqueue_dma source(%dma_start3A_200 : memref<128xi32, #tpu.memory_space<hbm>>) target(%arg6 : memref<128xi32, #tpu.memory_space<vmem>>) target_semaphore(%run_scoped3A : memref<!tpu.dma_semaphore, #tpu.memory_space<semaphore_mem>>)
      %dma_wait3A_201 = tpu.memref_slice %arg3[%add3A_165] : memref<81920xi32, #tpu.memory_space<hbm>> -> memref<128xi32, #tpu.memory_space<hbm>>
      %dma_wait3A_202 = tpu.memref_slice %arg3[%add3A_165] : memref<81920xi32, #tpu.memory_space<hbm>> -> memref<128xi32, #tpu.memory_space<hbm>>
      tpu.wait_dma2 semaphore(%run_scoped3A : memref<!tpu.dma_semaphore, #tpu.memory_space<semaphore_mem>>) src(%dma_wait3A_202 : memref<128xi32, #tpu.memory_space<hbm>>) dst(%arg6 : memref<128xi32, #tpu.memory_space<vmem>>)
      tpu.yield
    }) : () -> ()
    %dma_start3A_166 = arith.constant 0 : i32
    %dma_start3A_167 = arith.constant 0 : i32
    %dma_start3A_168 = tpu.memref_slice %arg2[%dma_start3A_166, %dma_start3A_167] : memref<4096x128xf32, #tpu.memory_space<hbm>> -> memref<4096x128xf32, #tpu.memory_space<hbm>>
    tpu.enqueue_indirect_dma source(%dma_start3A_168 : memref<4096x128xf32, #tpu.memory_space<hbm>>) target(%arg8 : memref<128x128xf32, #tpu.memory_space<vmem>>) offsets(%arg6 : memref<128xi32, #tpu.memory_space<vmem>>) semaphore(%arg10 : memref<!tpu.dma_semaphore, #tpu.memory_space<semaphore_mem>>)
    %dma_wait3A_169 = arith.constant 0 : i32
    %dma_wait3A_170 = arith.constant 0 : i32
    %dma_wait3A_171 = tpu.memref_slice %arg2[%dma_wait3A_169, %dma_wait3A_170] : memref<4096x128xf32, #tpu.memory_space<hbm>> -> memref<4096x128xf32, #tpu.memory_space<hbm>>
    tpu.wait_indirect_dma semaphore(%arg9 : memref<!tpu.dma_semaphore, #tpu.memory_space<semaphore_mem>>) src(%dma_wait3A_171 : memref<4096x128xf32, #tpu.memory_space<hbm>>) dst(%arg7 : memref<128x128xf32, #tpu.memory_space<vmem>>)
    %add3A_172 = arith.constant 2048 : i32
    %add3A_173 = arith.addi %mul3A_2, %add3A_172 : i32
    "tpu.region"() ({
      %run_scoped3A = tpu.sem_alloc : memref<!tpu.dma_semaphore, #tpu.memory_space<semaphore_mem>>
      %dma_start3A_199 = arith.constant 0 : i32
      %dma_start3A_200 = tpu.memref_slice %arg4[%add3A_173, %dma_start3A_199] : memref<81920x128xf32, #tpu.memory_space<hbm>> -> memref<128x128xf32, #tpu.memory_space<hbm>>
      %dma_start3A_201 = arith.constant 0 : i32
      %dma_start3A_202 = tpu.memref_slice %arg4[%add3A_173, %dma_start3A_201] : memref<81920x128xf32, #tpu.memory_space<hbm>> -> memref<128x128xf32, #tpu.memory_space<hbm>>
      tpu.enqueue_dma source(%arg7 : memref<128x128xf32, #tpu.memory_space<vmem>>) target(%dma_start3A_202 : memref<128x128xf32, #tpu.memory_space<hbm>>) target_semaphore(%run_scoped3A : memref<!tpu.dma_semaphore, #tpu.memory_space<semaphore_mem>>)
      %dma_wait3A_203 = arith.constant 0 : i32
      %dma_wait3A_204 = tpu.memref_slice %arg4[%add3A_173, %dma_wait3A_203] : memref<81920x128xf32, #tpu.memory_space<hbm>> -> memref<128x128xf32, #tpu.memory_space<hbm>>
      %dma_wait3A_205 = arith.constant 0 : i32
      %dma_wait3A_206 = tpu.memref_slice %arg4[%add3A_173, %dma_wait3A_205] : memref<81920x128xf32, #tpu.memory_space<hbm>> -> memref<128x128xf32, #tpu.memory_space<hbm>>
      tpu.wait_dma2 semaphore(%run_scoped3A : memref<!tpu.dma_semaphore, #tpu.memory_space<semaphore_mem>>) src(%arg7 : memref<128x128xf32, #tpu.memory_space<vmem>>) dst(%dma_wait3A_206 : memref<128x128xf32, #tpu.memory_space<hbm>>)
      tpu.yield
    }) : () -> ()
    %add3A_174 = arith.constant 2304 : i32
    %add3A_175 = arith.addi %mul3A_2, %add3A_174 : i32
    "tpu.region"() ({
      %run_scoped3A = tpu.sem_alloc : memref<!tpu.dma_semaphore, #tpu.memory_space<semaphore_mem>>
      %dma_start3A_199 = tpu.memref_slice %arg3[%add3A_175] : memref<81920xi32, #tpu.memory_space<hbm>> -> memref<128xi32, #tpu.memory_space<hbm>>
      %dma_start3A_200 = tpu.memref_slice %arg3[%add3A_175] : memref<81920xi32, #tpu.memory_space<hbm>> -> memref<128xi32, #tpu.memory_space<hbm>>
      tpu.enqueue_dma source(%dma_start3A_200 : memref<128xi32, #tpu.memory_space<hbm>>) target(%arg5 : memref<128xi32, #tpu.memory_space<vmem>>) target_semaphore(%run_scoped3A : memref<!tpu.dma_semaphore, #tpu.memory_space<semaphore_mem>>)
      %dma_wait3A_201 = tpu.memref_slice %arg3[%add3A_175] : memref<81920xi32, #tpu.memory_space<hbm>> -> memref<128xi32, #tpu.memory_space<hbm>>
      %dma_wait3A_202 = tpu.memref_slice %arg3[%add3A_175] : memref<81920xi32, #tpu.memory_space<hbm>> -> memref<128xi32, #tpu.memory_space<hbm>>
      tpu.wait_dma2 semaphore(%run_scoped3A : memref<!tpu.dma_semaphore, #tpu.memory_space<semaphore_mem>>) src(%dma_wait3A_202 : memref<128xi32, #tpu.memory_space<hbm>>) dst(%arg5 : memref<128xi32, #tpu.memory_space<vmem>>)
      tpu.yield
    }) : () -> ()
    %dma_start3A_176 = arith.constant 0 : i32
    %dma_start3A_177 = arith.constant 0 : i32
    %dma_start3A_178 = tpu.memref_slice %arg2[%dma_start3A_176, %dma_start3A_177] : memref<4096x128xf32, #tpu.memory_space<hbm>> -> memref<4096x128xf32, #tpu.memory_space<hbm>>
    tpu.enqueue_indirect_dma source(%dma_start3A_178 : memref<4096x128xf32, #tpu.memory_space<hbm>>) target(%arg7 : memref<128x128xf32, #tpu.memory_space<vmem>>) offsets(%arg5 : memref<128xi32, #tpu.memory_space<vmem>>) semaphore(%arg9 : memref<!tpu.dma_semaphore, #tpu.memory_space<semaphore_mem>>)
    %dma_wait3A_179 = arith.constant 0 : i32
    %dma_wait3A_180 = arith.constant 0 : i32
    %dma_wait3A_181 = tpu.memref_slice %arg2[%dma_wait3A_179, %dma_wait3A_180] : memref<4096x128xf32, #tpu.memory_space<hbm>> -> memref<4096x128xf32, #tpu.memory_space<hbm>>
    tpu.wait_indirect_dma semaphore(%arg10 : memref<!tpu.dma_semaphore, #tpu.memory_space<semaphore_mem>>) src(%dma_wait3A_181 : memref<4096x128xf32, #tpu.memory_space<hbm>>) dst(%arg8 : memref<128x128xf32, #tpu.memory_space<vmem>>)
    %add3A_182 = arith.constant 2176 : i32
    %add3A_183 = arith.addi %mul3A_2, %add3A_182 : i32
    "tpu.region"() ({
      %run_scoped3A = tpu.sem_alloc : memref<!tpu.dma_semaphore, #tpu.memory_space<semaphore_mem>>
      %dma_start3A_199 = arith.constant 0 : i32
      %dma_start3A_200 = tpu.memref_slice %arg4[%add3A_183, %dma_start3A_199] : memref<81920x128xf32, #tpu.memory_space<hbm>> -> memref<128x128xf32, #tpu.memory_space<hbm>>
      %dma_start3A_201 = arith.constant 0 : i32
      %dma_start3A_202 = tpu.memref_slice %arg4[%add3A_183, %dma_start3A_201] : memref<81920x128xf32, #tpu.memory_space<hbm>> -> memref<128x128xf32, #tpu.memory_space<hbm>>
      tpu.enqueue_dma source(%arg8 : memref<128x128xf32, #tpu.memory_space<vmem>>) target(%dma_start3A_202 : memref<128x128xf32, #tpu.memory_space<hbm>>) target_semaphore(%run_scoped3A : memref<!tpu.dma_semaphore, #tpu.memory_space<semaphore_mem>>)
      %dma_wait3A_203 = arith.constant 0 : i32
      %dma_wait3A_204 = tpu.memref_slice %arg4[%add3A_183, %dma_wait3A_203] : memref<81920x128xf32, #tpu.memory_space<hbm>> -> memref<128x128xf32, #tpu.memory_space<hbm>>
      %dma_wait3A_205 = arith.constant 0 : i32
      %dma_wait3A_206 = tpu.memref_slice %arg4[%add3A_183, %dma_wait3A_205] : memref<81920x128xf32, #tpu.memory_space<hbm>> -> memref<128x128xf32, #tpu.memory_space<hbm>>
      tpu.wait_dma2 semaphore(%run_scoped3A : memref<!tpu.dma_semaphore, #tpu.memory_space<semaphore_mem>>) src(%arg8 : memref<128x128xf32, #tpu.memory_space<vmem>>) dst(%dma_wait3A_206 : memref<128x128xf32, #tpu.memory_space<hbm>>)
      tpu.yield
    }) : () -> ()
    %add3A_184 = arith.constant 2432 : i32
    %add3A_185 = arith.addi %mul3A_2, %add3A_184 : i32
    "tpu.region"() ({
      %run_scoped3A = tpu.sem_alloc : memref<!tpu.dma_semaphore, #tpu.memory_space<semaphore_mem>>
      %dma_start3A_199 = tpu.memref_slice %arg3[%add3A_185] : memref<81920xi32, #tpu.memory_space<hbm>> -> memref<128xi32, #tpu.memory_space<hbm>>
      %dma_start3A_200 = tpu.memref_slice %arg3[%add3A_185] : memref<81920xi32, #tpu.memory_space<hbm>> -> memref<128xi32, #tpu.memory_space<hbm>>
      tpu.enqueue_dma source(%dma_start3A_200 : memref<128xi32, #tpu.memory_space<hbm>>) target(%arg6 : memref<128xi32, #tpu.memory_space<vmem>>) target_semaphore(%run_scoped3A : memref<!tpu.dma_semaphore, #tpu.memory_space<semaphore_mem>>)
      %dma_wait3A_201 = tpu.memref_slice %arg3[%add3A_185] : memref<81920xi32, #tpu.memory_space<hbm>> -> memref<128xi32, #tpu.memory_space<hbm>>
      %dma_wait3A_202 = tpu.memref_slice %arg3[%add3A_185] : memref<81920xi32, #tpu.memory_space<hbm>> -> memref<128xi32, #tpu.memory_space<hbm>>
      tpu.wait_dma2 semaphore(%run_scoped3A : memref<!tpu.dma_semaphore, #tpu.memory_space<semaphore_mem>>) src(%dma_wait3A_202 : memref<128xi32, #tpu.memory_space<hbm>>) dst(%arg6 : memref<128xi32, #tpu.memory_space<vmem>>)
      tpu.yield
    }) : () -> ()
    %dma_start3A_186 = arith.constant 0 : i32
    %dma_start3A_187 = arith.constant 0 : i32
    %dma_start3A_188 = tpu.memref_slice %arg2[%dma_start3A_186, %dma_start3A_187] : memref<4096x128xf32, #tpu.memory_space<hbm>> -> memref<4096x128xf32, #tpu.memory_space<hbm>>
    tpu.enqueue_indirect_dma source(%dma_start3A_188 : memref<4096x128xf32, #tpu.memory_space<hbm>>) target(%arg8 : memref<128x128xf32, #tpu.memory_space<vmem>>) offsets(%arg6 : memref<128xi32, #tpu.memory_space<vmem>>) semaphore(%arg10 : memref<!tpu.dma_semaphore, #tpu.memory_space<semaphore_mem>>)
    %dma_wait3A_189 = arith.constant 0 : i32
    %dma_wait3A_190 = arith.constant 0 : i32
    %dma_wait3A_191 = tpu.memref_slice %arg2[%dma_wait3A_189, %dma_wait3A_190] : memref<4096x128xf32, #tpu.memory_space<hbm>> -> memref<4096x128xf32, #tpu.memory_space<hbm>>
    tpu.wait_indirect_dma semaphore(%arg9 : memref<!tpu.dma_semaphore, #tpu.memory_space<semaphore_mem>>) src(%dma_wait3A_191 : memref<4096x128xf32, #tpu.memory_space<hbm>>) dst(%arg7 : memref<128x128xf32, #tpu.memory_space<vmem>>)
    %add3A_192 = arith.constant 2304 : i32
    %add3A_193 = arith.addi %mul3A_2, %add3A_192 : i32
    "tpu.region"() ({
      %run_scoped3A = tpu.sem_alloc : memref<!tpu.dma_semaphore, #tpu.memory_space<semaphore_mem>>
      %dma_start3A_199 = arith.constant 0 : i32
      %dma_start3A_200 = tpu.memref_slice %arg4[%add3A_193, %dma_start3A_199] : memref<81920x128xf32, #tpu.memory_space<hbm>> -> memref<128x128xf32, #tpu.memory_space<hbm>>
      %dma_start3A_201 = arith.constant 0 : i32
      %dma_start3A_202 = tpu.memref_slice %arg4[%add3A_193, %dma_start3A_201] : memref<81920x128xf32, #tpu.memory_space<hbm>> -> memref<128x128xf32, #tpu.memory_space<hbm>>
      tpu.enqueue_dma source(%arg7 : memref<128x128xf32, #tpu.memory_space<vmem>>) target(%dma_start3A_202 : memref<128x128xf32, #tpu.memory_space<hbm>>) target_semaphore(%run_scoped3A : memref<!tpu.dma_semaphore, #tpu.memory_space<semaphore_mem>>)
      %dma_wait3A_203 = arith.constant 0 : i32
      %dma_wait3A_204 = tpu.memref_slice %arg4[%add3A_193, %dma_wait3A_203] : memref<81920x128xf32, #tpu.memory_space<hbm>> -> memref<128x128xf32, #tpu.memory_space<hbm>>
      %dma_wait3A_205 = arith.constant 0 : i32
      %dma_wait3A_206 = tpu.memref_slice %arg4[%add3A_193, %dma_wait3A_205] : memref<81920x128xf32, #tpu.memory_space<hbm>> -> memref<128x128xf32, #tpu.memory_space<hbm>>
      tpu.wait_dma2 semaphore(%run_scoped3A : memref<!tpu.dma_semaphore, #tpu.memory_space<semaphore_mem>>) src(%arg7 : memref<128x128xf32, #tpu.memory_space<vmem>>) dst(%dma_wait3A_206 : memref<128x128xf32, #tpu.memory_space<hbm>>)
      tpu.yield
    }) : () -> ()
    %dma_wait3A_194 = arith.constant 0 : i32
    %dma_wait3A_195 = arith.constant 0 : i32
    %dma_wait3A_196 = tpu.memref_slice %arg2[%dma_wait3A_194, %dma_wait3A_195] : memref<4096x128xf32, #tpu.memory_space<hbm>> -> memref<4096x128xf32, #tpu.memory_space<hbm>>
    tpu.wait_indirect_dma semaphore(%arg10 : memref<!tpu.dma_semaphore, #tpu.memory_space<semaphore_mem>>) src(%dma_wait3A_196 : memref<4096x128xf32, #tpu.memory_space<hbm>>) dst(%arg8 : memref<128x128xf32, #tpu.memory_space<vmem>>)
    %add3A_197 = arith.constant 2432 : i32
    %add3A_198 = arith.addi %mul3A_2, %add3A_197 : i32
    "tpu.region"() ({
      %run_scoped3A = tpu.sem_alloc : memref<!tpu.dma_semaphore, #tpu.memory_space<semaphore_mem>>
      %dma_start3A_199 = arith.constant 0 : i32
      %dma_start3A_200 = tpu.memref_slice %arg4[%add3A_198, %dma_start3A_199] : memref<81920x128xf32, #tpu.memory_space<hbm>> -> memref<128x128xf32, #tpu.memory_space<hbm>>
      %dma_start3A_201 = arith.constant 0 : i32
      %dma_start3A_202 = tpu.memref_slice %arg4[%add3A_198, %dma_start3A_201] : memref<81920x128xf32, #tpu.memory_space<hbm>> -> memref<128x128xf32, #tpu.memory_space<hbm>>
      tpu.enqueue_dma source(%arg8 : memref<128x128xf32, #tpu.memory_space<vmem>>) target(%dma_start3A_202 : memref<128x128xf32, #tpu.memory_space<hbm>>) target_semaphore(%run_scoped3A : memref<!tpu.dma_semaphore, #tpu.memory_space<semaphore_mem>>)
      %dma_wait3A_203 = arith.constant 0 : i32
      %dma_wait3A_204 = tpu.memref_slice %arg4[%add3A_198, %dma_wait3A_203] : memref<81920x128xf32, #tpu.memory_space<hbm>> -> memref<128x128xf32, #tpu.memory_space<hbm>>
      %dma_wait3A_205 = arith.constant 0 : i32
      %dma_wait3A_206 = tpu.memref_slice %arg4[%add3A_198, %dma_wait3A_205] : memref<81920x128xf32, #tpu.memory_space<hbm>> -> memref<128x128xf32, #tpu.memory_space<hbm>>
      tpu.wait_dma2 semaphore(%run_scoped3A : memref<!tpu.dma_semaphore, #tpu.memory_space<semaphore_mem>>) src(%arg8 : memref<128x128xf32, #tpu.memory_space<vmem>>) dst(%dma_wait3A_206 : memref<128x128xf32, #tpu.memory_space<hbm>>)
      tpu.yield
    }) : () -> ()
    return
  }
}

module attributes {stable_mosaic.version = 14 : i64} {
  func.func @_topk_kernel(%arg0: i32, %arg1: memref<1x1024x64xf32, #tpu.memory_space<vmem>>, %arg2: memref<1x1024x20xi32, #tpu.memory_space<vmem>>, %arg3: memref<1024x1024xf32, #tpu.memory_space<vmem>>) attributes {dimension_semantics = [#tpu.dimension_semantics<arbitrary>], iteration_bounds = array<i64: 4>, scalar_prefetch = 0 : i64, scratch_operands = 1 : i64, tpu.core_type = #tpu.core_type<tc>, window_params = [{transform_indices = @transform_0, window_bounds = array<i64: 1, 1024, 64>}, {transform_indices = @transform_1, window_bounds = array<i64: 1, 1024, 20>}]} {
    %get3A = arith.constant 0 : index
    %get3A_0 = arith.constant 0 : index
    %get3A_1 = arith.constant 0 : index
    %get3A_2 = vector.load %arg1[%get3A, %get3A_0, %get3A_1] : memref<1x1024x64xf32, #tpu.memory_space<vmem>>, vector<1x1024x64xf32>
    %get3A_3 = vector.shape_cast %get3A_2 : vector<1x1024x64xf32> to vector<1024x64xf32>
    %dot_general3A = arith.constant dense<0.000000e+00> : vector<1024x1024xf32>
    %dot_general3A_4 = tpu.matmul %get3A_3, %get3A_3, %dot_general3A {dimension_numbers = #tpu.dot_dimension_numbers<[1], [1], [0], [0], [0, 0, 1, 0], [], []>, precision = #tpu.contract_precision<fp32>, transpose_lhs_hint = false} : vector<1024x64xf32>, vector<1024x64xf32>, vector<1024x1024xf32> -> vector<1024x1024xf32>
    %iota3A = tpu.iota {dimensions = array<i32: 1>} : vector<1024x1024xi32>
    %iota3A_5 = tpu.iota {dimensions = array<i32: 0>} : vector<1024x1024xi32>
    %eq3A = arith.cmpi eq, %iota3A, %iota3A_5 : vector<1024x1024xi32>
    %jit3A = arith.constant 0.000000e+00 : f32
    %broadcast_in_dim3A = vector.broadcast %jit3A : f32 to vector<1024x1024xf32>
    %select_n3A = arith.select %eq3A, %dot_general3A_4, %broadcast_in_dim3A : vector<1024x1024xi1>, vector<1024x1024xf32>
    %reduce_sum3A = arith.constant dense<0.000000e+00> : vector<1024xf32>
    %reduce_sum3A_6 = vector.multi_reduction <add>, %select_n3A, %reduce_sum3A [0] : vector<1024x1024xf32> to vector<1024xf32>
    %broadcast_in_dim3A_7 = vector.shape_cast %reduce_sum3A_6 : vector<1024xf32> to vector<1x1024xf32>
    %mul3A = arith.constant 2.000000e+00 : f32
    %mul3A_8 = vector.broadcast %mul3A : f32 to vector<1024x1024xf32>
    %mul3A_9 = arith.mulf %mul3A_8, %dot_general3A_4 : vector<1024x1024xf32>
    %sub3A = vector.broadcast %broadcast_in_dim3A_7 : vector<1x1024xf32> to vector<1024x1024xf32>
    %sub3A_10 = arith.subf %sub3A, %mul3A_9 : vector<1024x1024xf32>
    %jit3A_11 = arith.constant 1.000000e+10 : f32
    %jit3A_12 = arith.constant 0.000000e+00 : f32
    %broadcast_in_dim3A_13 = vector.broadcast %jit3A_11 : f32 to vector<1024x1024xf32>
    %broadcast_in_dim3A_14 = vector.broadcast %jit3A_12 : f32 to vector<1024x1024xf32>
    %select_n3A_15 = arith.select %eq3A, %broadcast_in_dim3A_13, %broadcast_in_dim3A_14 : vector<1024x1024xi1>, vector<1024x1024xf32>
    %add3A = arith.addf %sub3A_10, %select_n3A_15 : vector<1024x1024xf32>
    %swap3A = arith.constant 0 : index
    %swap3A_16 = arith.constant 0 : index
    %swap3A_17 = vector.load %arg3[%swap3A, %swap3A_16] : memref<1024x1024xf32, #tpu.memory_space<vmem>>, vector<1024x1024xf32>
    tpu.vector_store %arg3[%swap3A, %swap3A_16], %add3A {strides = array<i32>} : memref<1024x1024xf32, #tpu.memory_space<vmem>>, vector<1024x1024xf32>,
    %mul3A_18 = arith.constant 1024 : i32
    %mul3A_19 = arith.muli %arg0, %mul3A_18 : i32
    %iota3A_20 = tpu.iota {dimensions = array<i32: 1>} : vector<1024x20xi32>
    %broadcast_in_dim3A_21 = arith.constant 0 : i32
    %broadcast_in_dim3A_22 = vector.broadcast %broadcast_in_dim3A_21 : i32 to vector<1024x20xi32>
    %swap3A_23 = arith.constant 0 : index
    %swap3A_24 = arith.constant 0 : index
    %swap3A_25 = arith.constant 0 : index
    %swap3A_26 = vector.load %arg2[%swap3A_23, %swap3A_24, %swap3A_25] : memref<1x1024x20xi32, #tpu.memory_space<vmem>>, vector<1x1024x20xi32>
    %swap3A_27 = vector.shape_cast %swap3A_26 : vector<1x1024x20xi32> to vector<1024x20xi32>
    %swap3A_28 = vector.shape_cast %broadcast_in_dim3A_22 : vector<1024x20xi32> to vector<1x1024x20xi32>
    tpu.vector_store %arg2[%swap3A_23, %swap3A_24, %swap3A_25], %swap3A_28 {strides = array<i32>} : memref<1x1024x20xi32, #tpu.memory_space<vmem>>, vector<1x1024x20xi32>,
    %scan3A = arith.constant 0 : i32
    %scan3A_29 = arith.constant 20 : i32
    %scan3A_30 = arith.addi %scan3A, %scan3A_29 : i32
    %scan3A_31 = arith.constant 1 : i32
    scf.for %scan3A_33 = %scan3A to %scan3A_30 step %scan3A_31  : i32 {
      %get3A_34 = arith.constant 0 : index
      %get3A_35 = arith.constant 0 : index
      %get3A_36 = vector.load %arg3[%get3A_34, %get3A_35] : memref<1024x1024xf32, #tpu.memory_space<vmem>>, vector<1024x1024xf32>
      %reduce_min3A = arith.constant dense<0x7F800000> : vector<1024xf32>
      %reduce_min3A_37 = vector.multi_reduction <minimumf>, %get3A_36, %reduce_min3A [1] : vector<1024x1024xf32> to vector<1024xf32>
      %broadcast_in_dim3A_38 = vector.shape_cast %reduce_min3A_37 : vector<1024xf32> to vector<1024x1xf32>
      %le3A = vector.broadcast %broadcast_in_dim3A_38 : vector<1024x1xf32> to vector<1024x1024xf32>
      %le3A_39 = arith.cmpf ole, %get3A_36, %le3A : vector<1024x1024xf32>
      %jit3A_40 = arith.constant 1073741824 : i32
      %broadcast_in_dim3A_41 = vector.broadcast %jit3A_40 : i32 to vector<1024x1024xi32>
      %select_n3A_42 = arith.select %le3A_39, %iota3A, %broadcast_in_dim3A_41 : vector<1024x1024xi1>, vector<1024x1024xi32>
      %reduce_min3A_43 = arith.constant dense<2147483647> : vector<1024xi32>
      %reduce_min3A_44 = vector.multi_reduction <minsi>, %select_n3A_42, %reduce_min3A_43 [1] : vector<1024x1024xi32> to vector<1024xi32>
      %broadcast_in_dim3A_45 = vector.shape_cast %reduce_min3A_44 : vector<1024xi32> to vector<1024x1xi32>
      %eq3A_46 = vector.broadcast %broadcast_in_dim3A_45 : vector<1024x1xi32> to vector<1024x1024xi32>
      %eq3A_47 = arith.cmpi eq, %iota3A, %eq3A_46 : vector<1024x1024xi32>
      %jit3A_48 = arith.constant 3.000000e+38 : f32
      %broadcast_in_dim3A_49 = vector.broadcast %jit3A_48 : f32 to vector<1024x1024xf32>
      %select_n3A_50 = arith.select %eq3A_47, %broadcast_in_dim3A_49, %get3A_36 : vector<1024x1024xi1>, vector<1024x1024xf32>
      %swap3A_51 = arith.constant 0 : index
      %swap3A_52 = arith.constant 0 : index
      %swap3A_53 = vector.load %arg3[%swap3A_51, %swap3A_52] : memref<1024x1024xf32, #tpu.memory_space<vmem>>, vector<1024x1024xf32>
      tpu.vector_store %arg3[%swap3A_51, %swap3A_52], %select_n3A_50 {strides = array<i32>} : memref<1024x1024xf32, #tpu.memory_space<vmem>>, vector<1024x1024xf32>,
      %eq3A_54 = vector.broadcast %scan3A_33 : i32 to vector<1024x20xi32>
      %eq3A_55 = arith.cmpi eq, %iota3A_20, %eq3A_54 : vector<1024x20xi32>
      %add3A_56 = vector.broadcast %mul3A_19 : i32 to vector<1024x1xi32>
      %add3A_57 = arith.addi %broadcast_in_dim3A_45, %add3A_56 : vector<1024x1xi32>
      %get3A_58 = arith.constant 0 : index
      %get3A_59 = arith.constant 0 : index
      %get3A_60 = arith.constant 0 : index
      %get3A_61 = vector.load %arg2[%get3A_58, %get3A_59, %get3A_60] : memref<1x1024x20xi32, #tpu.memory_space<vmem>>, vector<1x1024x20xi32>
      %get3A_62 = vector.shape_cast %get3A_61 : vector<1x1024x20xi32> to vector<1024x20xi32>
      %broadcast_in_dim3A_63 = vector.shape_cast %add3A_57 : vector<1024x1xi32> to vector<1024x1xi32>
      %broadcast_in_dim3A_64 = vector.broadcast %broadcast_in_dim3A_63 : vector<1024x1xi32> to vector<1024x20xi32>
      %select_n3A_65 = arith.select %eq3A_55, %broadcast_in_dim3A_64, %get3A_62 : vector<1024x20xi1>, vector<1024x20xi32>
      %swap3A_66 = arith.constant 0 : index
      %swap3A_67 = arith.constant 0 : index
      %swap3A_68 = arith.constant 0 : index
      %swap3A_69 = vector.load %arg2[%swap3A_66, %swap3A_67, %swap3A_68] : memref<1x1024x20xi32, #tpu.memory_space<vmem>>, vector<1x1024x20xi32>
      %swap3A_70 = vector.shape_cast %swap3A_69 : vector<1x1024x20xi32> to vector<1024x20xi32>
      %swap3A_71 = vector.shape_cast %select_n3A_65 : vector<1024x20xi32> to vector<1x1024x20xi32>
      tpu.vector_store %arg2[%swap3A_66, %swap3A_67, %swap3A_68], %swap3A_71 {strides = array<i32>} : memref<1x1024x20xi32, #tpu.memory_space<vmem>>, vector<1x1024x20xi32>,
    }
    %scan3A_32 = arith.constant 20 : i32
    return
  }
  func.func @transform_0(%arg0: i32) -> (i32, i32, i32) {
    %c0_i32 = arith.constant 0 : i32
    %c0_i32_0 = arith.constant 0 : i32
    %c0_i32_1 = arith.constant 0 : i32
    return %arg0, %c0_i32, %c0_i32_0 : i32, i32, i32
  }
  func.func @transform_1(%arg0: i32) -> (i32, i32, i32) {
    %c0_i32 = arith.constant 0 : i32
    %c0_i32_0 = arith.constant 0 : i32
    %c0_i32_1 = arith.constant 0 : i32
    return %arg0, %c0_i32, %c0_i32_0 : i32, i32, i32
  }
}

module attributes {stable_mosaic.version = 14 : i64} {
  func.func @_mlp_kernel(%arg0: i32, %arg1: i32, %arg2: memref<1x1024x64xf32, #tpu.memory_space<vmem>>, %arg3: memref<1x1x1024x128xf32, #tpu.memory_space<vmem>>, %arg4: memref<64x128xf32, #tpu.memory_space<vmem>>, %arg5: memref<64x128xf32, #tpu.memory_space<vmem>>, %arg6: memref<1x128xf32, #tpu.memory_space<vmem>>, %arg7: memref<1x128xf32, #tpu.memory_space<vmem>>, %arg8: memref<1x128xf32, #tpu.memory_space<vmem>>, %arg9: memref<128x64xf32, #tpu.memory_space<vmem>>, %arg10: memref<1x64xf32, #tpu.memory_space<vmem>>, %arg11: memref<1x1024x64xf32, #tpu.memory_space<vmem>>, %arg12: memref<1024x128xf32, #tpu.memory_space<vmem>>) attributes {dimension_semantics = [#tpu.dimension_semantics<arbitrary>, #tpu.dimension_semantics<arbitrary>], iteration_bounds = array<i64: 4, 20>, scalar_prefetch = 0 : i64, scratch_operands = 1 : i64, tpu.core_type = #tpu.core_type<tc>, window_params = [{transform_indices = @transform_0, window_bounds = array<i64: 1, 1024, 64>}, {transform_indices = @transform_1, window_bounds = array<i64: 1, 1, 1024, 128>}, {pipeline_mode = #tpu.pipeline_mode<synchronous>, transform_indices = @transform_2, window_bounds = array<i64: 64, 128>}, {pipeline_mode = #tpu.pipeline_mode<synchronous>, transform_indices = @transform_3, window_bounds = array<i64: 64, 128>}, {pipeline_mode = #tpu.pipeline_mode<synchronous>, transform_indices = @transform_4, window_bounds = array<i64: 1, 128>}, {pipeline_mode = #tpu.pipeline_mode<synchronous>, transform_indices = @transform_5, window_bounds = array<i64: 1, 128>}, {pipeline_mode = #tpu.pipeline_mode<synchronous>, transform_indices = @transform_6, window_bounds = array<i64: 1, 128>}, {pipeline_mode = #tpu.pipeline_mode<synchronous>, transform_indices = @transform_7, window_bounds = array<i64: 128, 64>}, {pipeline_mode = #tpu.pipeline_mode<synchronous>, transform_indices = @transform_8, window_bounds = array<i64: 1, 64>}, {transform_indices = @transform_9, window_bounds = array<i64: 1, 1024, 64>}]} {
    %get3A = arith.constant 0 : index
    %get3A_0 = arith.constant 0 : index
    %get3A_1 = arith.constant 0 : index
    %get3A_2 = vector.load %arg2[%get3A, %get3A_0, %get3A_1] : memref<1x1024x64xf32, #tpu.memory_space<vmem>>, vector<1x1024x64xf32>
    %get3A_3 = vector.shape_cast %get3A_2 : vector<1x1024x64xf32> to vector<1024x64xf32>
    %eq3A = arith.constant 0 : i32
    %eq3A_4 = arith.cmpi eq, %arg1, %eq3A : i32
    %convert_element_type3A = arith.extui %eq3A_4 : i1 to i32
    %cond3A = arith.constant 0 : i32
    %cond3A_5 = arith.cmpi ne, %convert_element_type3A, %cond3A : i32
    scf.if %cond3A_5 {
      %get3A_96 = arith.constant 0 : index
      %get3A_97 = arith.constant 0 : index
      %get3A_98 = vector.load %arg4[%get3A_96, %get3A_97] : memref<64x128xf32, #tpu.memory_space<vmem>>, vector<64x128xf32>
      %dot_general3A_99 = arith.constant dense<0.000000e+00> : vector<1024x128xf32>
      %dot_general3A_100 = tpu.matmul %get3A_3, %get3A_98, %dot_general3A_99 {dimension_numbers = #tpu.dot_dimension_numbers<[1], [0], [0], [1], [0, 0, 1, 1], [], []>, transpose_lhs_hint = false} : vector<1024x64xf32>, vector<64x128xf32>, vector<1024x128xf32> -> vector<1024x128xf32>
      %swap3A_101 = arith.constant 0 : index
      %swap3A_102 = arith.constant 0 : index
      %swap3A_103 = vector.load %arg12[%swap3A_101, %swap3A_102] : memref<1024x128xf32, #tpu.memory_space<vmem>>, vector<1024x128xf32>
      tpu.vector_store %arg12[%swap3A_101, %swap3A_102], %dot_general3A_100 {strides = array<i32>} : memref<1024x128xf32, #tpu.memory_space<vmem>>, vector<1024x128xf32>,
      %broadcast_in_dim3A_104 = arith.constant 0xFF800000 : f32
      %broadcast_in_dim3A_105 = vector.broadcast %broadcast_in_dim3A_104 : f32 to vector<1024x64xf32>
      %swap3A_106 = arith.constant 0 : index
      %swap3A_107 = arith.constant 0 : index
      %swap3A_108 = arith.constant 0 : index
      %swap3A_109 = vector.load %arg11[%swap3A_106, %swap3A_107, %swap3A_108] : memref<1x1024x64xf32, #tpu.memory_space<vmem>>, vector<1x1024x64xf32>
      %swap3A_110 = vector.shape_cast %swap3A_109 : vector<1x1024x64xf32> to vector<1024x64xf32>
      %swap3A_111 = vector.shape_cast %broadcast_in_dim3A_105 : vector<1024x64xf32> to vector<1x1024x64xf32>
      tpu.vector_store %arg11[%swap3A_106, %swap3A_107, %swap3A_108], %swap3A_111 {strides = array<i32>} : memref<1x1024x64xf32, #tpu.memory_space<vmem>>, vector<1x1024x64xf32>,
    } else {
    }
    %get3A_6 = arith.constant 0 : index
    %get3A_7 = arith.constant 0 : index
    %get3A_8 = arith.constant 0 : index
    %get3A_9 = arith.constant 0 : index
    %get3A_10 = vector.load %arg3[%get3A_6, %get3A_7, %get3A_8, %get3A_9] : memref<1x1x1024x128xf32, #tpu.memory_space<vmem>>, vector<1x1x1024x128xf32>
    %get3A_11 = vector.shape_cast %get3A_10 : vector<1x1x1024x128xf32> to vector<1024x128xf32>
    %slice3A = vector.extract_strided_slice %get3A_11 {offsets = [0, 0], sizes = [1024, 64], strides = [1, 1]} : vector<1024x128xf32> to vector<1024x64xf32>
    %sub3A = arith.subf %slice3A, %get3A_3 : vector<1024x64xf32>
    %mul3A = arith.mulf %sub3A, %sub3A : vector<1024x64xf32>
    %reduce_sum3A = arith.constant dense<0.000000e+00> : vector<1024xf32>
    %reduce_sum3A_12 = vector.multi_reduction <add>, %mul3A, %reduce_sum3A [1] : vector<1024x64xf32> to vector<1024xf32>
    %broadcast_in_dim3A = vector.shape_cast %reduce_sum3A_12 : vector<1024xf32> to vector<1024x1xf32>
    %reduce_sum3A_13 = arith.constant dense<0.000000e+00> : vector<1024xf32>
    %reduce_sum3A_14 = vector.multi_reduction <add>, %get3A_3, %reduce_sum3A_13 [1] : vector<1024x64xf32> to vector<1024xf32>
    %broadcast_in_dim3A_15 = vector.shape_cast %reduce_sum3A_14 : vector<1024xf32> to vector<1024x1xf32>
    %mul3A_16 = arith.mulf %get3A_3, %get3A_3 : vector<1024x64xf32>
    %reduce_sum3A_17 = arith.constant dense<0.000000e+00> : vector<1024xf32>
    %reduce_sum3A_18 = vector.multi_reduction <add>, %mul3A_16, %reduce_sum3A_17 [1] : vector<1024x64xf32> to vector<1024xf32>
    %broadcast_in_dim3A_19 = vector.shape_cast %reduce_sum3A_18 : vector<1024xf32> to vector<1024x1xf32>
    %reduce_sum3A_20 = arith.constant dense<0.000000e+00> : vector<1024xf32>
    %reduce_sum3A_21 = vector.multi_reduction <add>, %sub3A, %reduce_sum3A_20 [1] : vector<1024x64xf32> to vector<1024xf32>
    %broadcast_in_dim3A_22 = vector.shape_cast %reduce_sum3A_21 : vector<1024xf32> to vector<1024x1xf32>
    %add3A = arith.addf %broadcast_in_dim3A_15, %broadcast_in_dim3A_22 : vector<1024x1xf32>
    %add3A_23 = arith.addf %add3A, %broadcast_in_dim3A : vector<1024x1xf32>
    %mul3A_24 = arith.constant 0.00775193795 : f32
    %mul3A_25 = vector.broadcast %mul3A_24 : f32 to vector<1024x1xf32>
    %mul3A_26 = arith.mulf %add3A_23, %mul3A_25 : vector<1024x1xf32>
    %add3A_27 = arith.addf %broadcast_in_dim3A_19, %broadcast_in_dim3A : vector<1024x1xf32>
    %mul3A_28 = arith.mulf %broadcast_in_dim3A, %broadcast_in_dim3A : vector<1024x1xf32>
    %add3A_29 = arith.addf %add3A_27, %mul3A_28 : vector<1024x1xf32>
    %mul3A_30 = arith.constant 0.00775193795 : f32
    %mul3A_31 = vector.broadcast %mul3A_30 : f32 to vector<1024x1xf32>
    %mul3A_32 = arith.mulf %add3A_29, %mul3A_31 : vector<1024x1xf32>
    %mul3A_33 = arith.mulf %mul3A_26, %mul3A_26 : vector<1024x1xf32>
    %sub3A_34 = arith.subf %mul3A_32, %mul3A_33 : vector<1024x1xf32>
    %add3A_35 = arith.constant 9.99999997E-7 : f32
    %add3A_36 = vector.broadcast %add3A_35 : f32 to vector<1024x1xf32>
    %add3A_37 = arith.addf %sub3A_34, %add3A_36 : vector<1024x1xf32>
    %rsqrt3A = math.rsqrt %add3A_37 : vector<1024x1xf32>
    %get3A_38 = arith.constant 0 : index
    %get3A_39 = arith.constant 0 : index
    %get3A_40 = vector.load %arg5[%get3A_38, %get3A_39] : memref<64x128xf32, #tpu.memory_space<vmem>>, vector<64x128xf32>
    %dot_general3A = arith.constant dense<0.000000e+00> : vector<1024x128xf32>
    %dot_general3A_41 = tpu.matmul %sub3A, %get3A_40, %dot_general3A {dimension_numbers = #tpu.dot_dimension_numbers<[1], [0], [0], [1], [0, 0, 1, 1], [], []>, transpose_lhs_hint = false} : vector<1024x64xf32>, vector<64x128xf32>, vector<1024x128xf32> -> vector<1024x128xf32>
    %get3A_42 = arith.constant 0 : index
    %get3A_43 = arith.constant 0 : index
    %get3A_44 = vector.load %arg12[%get3A_42, %get3A_43] : memref<1024x128xf32, #tpu.memory_space<vmem>>, vector<1024x128xf32>
    %add3A_45 = arith.addf %get3A_44, %dot_general3A_41 : vector<1024x128xf32>
    %get3A_46 = arith.constant 0 : index
    %get3A_47 = arith.constant 0 : index
    %get3A_48 = vector.load %arg6[%get3A_46, %get3A_47] : memref<1x128xf32, #tpu.memory_space<vmem>>, vector<1x128xf32>
    %mul3A_49 = vector.broadcast %broadcast_in_dim3A : vector<1024x1xf32> to vector<1024x128xf32>
    %mul3A_50 = vector.broadcast %get3A_48 : vector<1x128xf32> to vector<1024x128xf32>
    %mul3A_51 = arith.mulf %mul3A_49, %mul3A_50 : vector<1024x128xf32>
    %add3A_52 = arith.addf %add3A_45, %mul3A_51 : vector<1024x128xf32>
    %mul3A_53 = vector.broadcast %rsqrt3A : vector<1024x1xf32> to vector<1024x128xf32>
    %mul3A_54 = arith.mulf %mul3A_53, %add3A_52 : vector<1024x128xf32>
    %mul3A_55 = arith.mulf %mul3A_26, %rsqrt3A : vector<1024x1xf32>
    %get3A_56 = arith.constant 0 : index
    %get3A_57 = arith.constant 0 : index
    %get3A_58 = vector.load %arg7[%get3A_56, %get3A_57] : memref<1x128xf32, #tpu.memory_space<vmem>>, vector<1x128xf32>
    %mul3A_59 = vector.broadcast %mul3A_55 : vector<1024x1xf32> to vector<1024x128xf32>
    %mul3A_60 = vector.broadcast %get3A_58 : vector<1x128xf32> to vector<1024x128xf32>
    %mul3A_61 = arith.mulf %mul3A_59, %mul3A_60 : vector<1024x128xf32>
    %sub3A_62 = arith.subf %mul3A_54, %mul3A_61 : vector<1024x128xf32>
    %get3A_63 = arith.constant 0 : index
    %get3A_64 = arith.constant 0 : index
    %get3A_65 = vector.load %arg8[%get3A_63, %get3A_64] : memref<1x128xf32, #tpu.memory_space<vmem>>, vector<1x128xf32>
    %add3A_66 = vector.broadcast %get3A_65 : vector<1x128xf32> to vector<1024x128xf32>
    %add3A_67 = arith.addf %sub3A_62, %add3A_66 : vector<1024x128xf32>
    %neg3A = arith.constant 0.000000e+00 : f32
    %neg3A_68 = vector.broadcast %neg3A : f32 to vector<1024x128xf32>
    %neg3A_69 = arith.subf %neg3A_68, %add3A_67 : vector<1024x128xf32>
    %exp3A = math.exp %neg3A_69 : vector<1024x128xf32>
    %add3A_70 = arith.constant 1.000000e+00 : f32
    %add3A_71 = vector.broadcast %add3A_70 : f32 to vector<1024x128xf32>
    %add3A_72 = arith.addf %add3A_71, %exp3A : vector<1024x128xf32>
    %div3A = arith.constant 1.000000e+00 : f32
    %div3A_73 = vector.broadcast %div3A : f32 to vector<1024x128xf32>
    %div3A_74 = arith.divf %div3A_73, %add3A_72 : vector<1024x128xf32>
    %mul3A_75 = arith.mulf %add3A_67, %div3A_74 : vector<1024x128xf32>
    %get3A_76 = arith.constant 0 : index
    %get3A_77 = arith.constant 0 : index
    %get3A_78 = vector.load %arg9[%get3A_76, %get3A_77] : memref<128x64xf32, #tpu.memory_space<vmem>>, vector<128x64xf32>
    %dot_general3A_79 = arith.constant dense<0.000000e+00> : vector<1024x64xf32>
    %dot_general3A_80 = tpu.matmul %mul3A_75, %get3A_78, %dot_general3A_79 {dimension_numbers = #tpu.dot_dimension_numbers<[1], [0], [0], [1], [0, 0, 1, 1], [], []>, transpose_lhs_hint = false} : vector<1024x128xf32>, vector<128x64xf32>, vector<1024x64xf32> -> vector<1024x64xf32>
    %get3A_81 = arith.constant 0 : index
    %get3A_82 = arith.constant 0 : index
    %get3A_83 = vector.load %arg10[%get3A_81, %get3A_82] : memref<1x64xf32, #tpu.memory_space<vmem>>, vector<1x64xf32>
    %add3A_84 = vector.broadcast %get3A_83 : vector<1x64xf32> to vector<1024x64xf32>
    %add3A_85 = arith.addf %dot_general3A_80, %add3A_84 : vector<1024x64xf32>
    %get3A_86 = arith.constant 0 : index
    %get3A_87 = arith.constant 0 : index
    %get3A_88 = arith.constant 0 : index
    %get3A_89 = vector.load %arg11[%get3A_86, %get3A_87, %get3A_88] : memref<1x1024x64xf32, #tpu.memory_space<vmem>>, vector<1x1024x64xf32>
    %get3A_90 = vector.shape_cast %get3A_89 : vector<1x1024x64xf32> to vector<1024x64xf32>
    %max3A = arith.maximumf %get3A_90, %add3A_85 : vector<1024x64xf32>
    %swap3A = arith.constant 0 : index
    %swap3A_91 = arith.constant 0 : index
    %swap3A_92 = arith.constant 0 : index
    %swap3A_93 = vector.load %arg11[%swap3A, %swap3A_91, %swap3A_92] : memref<1x1024x64xf32, #tpu.memory_space<vmem>>, vector<1x1024x64xf32>
    %swap3A_94 = vector.shape_cast %swap3A_93 : vector<1x1024x64xf32> to vector<1024x64xf32>
    %swap3A_95 = vector.shape_cast %max3A : vector<1024x64xf32> to vector<1x1024x64xf32>
    tpu.vector_store %arg11[%swap3A, %swap3A_91, %swap3A_92], %swap3A_95 {strides = array<i32>} : memref<1x1024x64xf32, #tpu.memory_space<vmem>>, vector<1x1024x64xf32>,
    return
  }
  func.func @transform_0(%arg0: i32, %arg1: i32) -> (i32, i32, i32) {
    %c0_i32 = arith.constant 0 : i32
    %c0_i32_0 = arith.constant 0 : i32
    %c0_i32_1 = arith.constant 0 : i32
    return %arg0, %c0_i32, %c0_i32_0 : i32, i32, i32
  }
  func.func @transform_1(%arg0: i32, %arg1: i32) -> (i32, i32, i32, i32) {
    %c0_i32 = arith.constant 0 : i32
    %c0_i32_0 = arith.constant 0 : i32
    %c0_i32_1 = arith.constant 0 : i32
    return %arg0, %arg1, %c0_i32, %c0_i32_0 : i32, i32, i32, i32
  }
  func.func @transform_2(%arg0: i32, %arg1: i32) -> (i32, i32) {
    %c0_i32 = arith.constant 0 : i32
    %c0_i32_0 = arith.constant 0 : i32
    %c0_i32_1 = arith.constant 0 : i32
    return %c0_i32, %c0_i32_0 : i32, i32
  }
  func.func @transform_3(%arg0: i32, %arg1: i32) -> (i32, i32) {
    %c0_i32 = arith.constant 0 : i32
    %c0_i32_0 = arith.constant 0 : i32
    %c0_i32_1 = arith.constant 0 : i32
    return %c0_i32, %c0_i32_0 : i32, i32
  }
  func.func @transform_4(%arg0: i32, %arg1: i32) -> (i32, i32) {
    %c0_i32 = arith.constant 0 : i32
    %c0_i32_0 = arith.constant 0 : i32
    %c0_i32_1 = arith.constant 0 : i32
    return %c0_i32, %c0_i32_0 : i32, i32
  }
  func.func @transform_5(%arg0: i32, %arg1: i32) -> (i32, i32) {
    %c0_i32 = arith.constant 0 : i32
    %c0_i32_0 = arith.constant 0 : i32
    %c0_i32_1 = arith.constant 0 : i32
    return %c0_i32, %c0_i32_0 : i32, i32
  }
  func.func @transform_6(%arg0: i32, %arg1: i32) -> (i32, i32) {
    %c0_i32 = arith.constant 0 : i32
    %c0_i32_0 = arith.constant 0 : i32
    %c0_i32_1 = arith.constant 0 : i32
    return %c0_i32, %c0_i32_0 : i32, i32
  }
  func.func @transform_7(%arg0: i32, %arg1: i32) -> (i32, i32) {
    %c0_i32 = arith.constant 0 : i32
    %c0_i32_0 = arith.constant 0 : i32
    %c0_i32_1 = arith.constant 0 : i32
    return %c0_i32, %c0_i32_0 : i32, i32
  }
  func.func @transform_8(%arg0: i32, %arg1: i32) -> (i32, i32) {
    %c0_i32 = arith.constant 0 : i32
    %c0_i32_0 = arith.constant 0 : i32
    %c0_i32_1 = arith.constant 0 : i32
    return %c0_i32, %c0_i32_0 : i32, i32
  }
  func.func @transform_9(%arg0: i32, %arg1: i32) -> (i32, i32, i32) {
    %c0_i32 = arith.constant 0 : i32
    %c0_i32_0 = arith.constant 0 : i32
    %c0_i32_1 = arith.constant 0 : i32
    return %arg0, %c0_i32, %c0_i32_0 : i32, i32, i32
  }
}

</mosaic_0001>

<sc_bundles>
// kernel: kernel.5.cloned.1.call-start
scs
__scs_entry_jumppad:
0x0: {  	(pc) =	sbr.rel $0x88, $3  }
0x1: {  	(tag) =	ssettag $0x0;
	lr =	simm.s32 $0x1  }
0x2: {  	[smem:$0x3F9A] =	sst lr;
	_ =	strace $0xD0000000  }
0x3: {  	_ = 	snop  }
0x4: {  	_ = 	snop  }
0x5: {  	_ = 	snop  }
0x6: {  	_ = 	snop  }
0x7: {  	_ = 	snop  }
__scs_overlays_trampoline_lowered:
0x8: {  	[smem:$0x3FA9] =	sst s0  }
0x9: {  	[smem:$0x3FAA] =	sst s1  }
0xa: {  	[smem:$0x3FAB] =	sst s2  }
0xb: {  	[smem:$0x3FAC] =	sst s3  }
0xc: {  	[smem:$0x3FAD] =	sst s4  }
0xd: {  	[smem:$0x3FAE] =	sst s5  }
0xe: {  	[smem:$0x3FAF] =	sst s6  }
0xf: {  	[smem:$0x3FB0] =	sst s7  }
0x10: {  	[smem:$0x3FB1] =	sst s8  }
0x11: {  	[smem:$0x3FB2] =	sst s9;
	s0 =	simm.s32 @!p0 $0x0  }
0x12: {  	s1 =	sld [smem:$0x3F98];
	s0 =	simm.s32 @p0 $0x1  }
0x13: {  	[smem:$0x3FB3] =	sst s0;
	s0 =	simm.s32 @!p1 $0x0  }
0x14: {  	s2 =	sld [smem:$0x3F97];
	s0 =	simm.s32 @p1 $0x1  }
0x15: {  	[smem:$0x3FB4] =	sst s0;
	s0 =	simm.s32 @!p2 $0x0  }
0x16: {  	s3 =	sld [smem:$0x3FDB];
	s0 =	simm.s32 @p2 $0x1  }
0x17: {  	s4 =	simm.s32 $0x1BF5;
	[smem:$0x3FB6] =	sst s0  }
0x18: {  	s0 =	sld [smem:$0x3F99];
	_ =	swait.ge [sflag:s4], $0x0  }
0x19: {  	s7 =	sld [smem:$0x3F9A]  }
0x1a: {  	s8 =	sadd.s32 $0xFFFFE003, lr  }
0x1b: {  	s9 =	sadd.s32 $0xFFFFFEF7, lr;
	s5 =	simm.s32 $0xFFFFFFFF;
	p2 =	slt.u32 s8, $0xFFFFF086  }
0x1c: {  	p1 =	slt.u32 s9, $0xF7A;
	s5 =	simm.s32 @!p2 $0x0  }
0x1d: {  	s5 =	simm.s32 @p1 $0x1;
	p0 =	seq.s32 s7, s2  }
0x1e: {  	s7 =	smul.u32 @!p0 $0xF7A, s2;
	p2 =	seq.s32 @!p0 s5, $0x0  }
0x1f: {  	s9 =	smul.u32 $0xF7A, s1;
	s8 =	simm.s32 @!p0 $0x1BF5;
	p2 =	por !p2, p0  }
0x20: {  	[sflag:s8] =	ssyncset.s32 @!p0 $0xFFFFF086;
	s6 =	sadd.s32 @!p0 s3, s7;
	s7 =	simm.s32 @!p0 $0x108  }
0x21: {  	s3 =	sadd.s32 s3, s9;
	s6 =	sadd.s32 @!p0 $0x88, s6;
	s7 =	simm.s32 @p2 $0x1082  }
0x22: {  	[simem:s7], [sflag:s8] =	dma.local @!p0 [hbm:s6], $0xF7A  }
0x23: {  	s9 =	sor.u32 $0xD0000000, s2;
	s6 =	simm.s32 $0x108;
	_ =	swait.ge @!p0 [sflag:s8], $0x0  }
0x24: {  	s3 =	sadd.s32 $0x88, s3;
	s6 =	simm.s32 @!p1 $0x1082;
	[sflag:s4] =	ssyncset.s32 $0xFFFFF086  }
0x25: {  	[simem:s6], [sflag:s4] =	dma.local [hbm:s3], $0xF7A  }
0x26: {  	[smem:$0x3F9A] =	sst s1;
	(tag) =	ssettag s2;
	_ =	strace s9  }
0x27: {  	s1 =	sld [smem:$0x3FAA]  }
0x28: {  	s2 =	sld [smem:$0x3FAB]  }
0x29: {  	s4 =	sld [smem:$0x3FAD]  }
0x2a: {  	p0 =	seq.s32 s5, $0x0;
	s5 =	sld [smem:$0x3FAE]  }
0x2b: {  	s6 =	sld [smem:$0x3FAF]  }
0x2c: {  	s7 =	sld [smem:$0x3FB0]  }
0x2d: {  	s3 =	simm.s32 $0x108;
	s8 =	sld [smem:$0x3FB1]  }
0x2e: {  	s3 =	simm.s32 @!p0 $0x1082;
	s9 =	sld [smem:$0x3FB2]  }
0x2f: {  	lr =	sadd.s32 s0, s3;
	s0 =	sld [smem:$0x3FA9]  }
0x30: {  	s3 =	sld [smem:$0x3FAC]  }
0x31: {  	[smem:$0x3FB5] =	sst s10  }
0x32: {  	s10 =	sld [smem:$0x3FB3];
	_ =	sdelay $0x3  }
0x33: {  	p0 =	seq.s32 s10, $0x1;
	s10 =	sld [smem:$0x3FB5];
	_ =	sdelay $0x3  }
0x34: {  	[smem:$0x3FB5] =	sst s10  }
0x35: {  	s10 =	sld [smem:$0x3FB4];
	_ =	sdelay $0x3  }
0x36: {  	p1 =	seq.s32 s10, $0x1;
	s10 =	sld [smem:$0x3FB5];
	_ =	sdelay $0x3  }
0x37: {  	[smem:$0x3FB5] =	sst s10  }
0x38: {  	s10 =	sld [smem:$0x3FB6]  }
0x39: {  	_ = 	snop;
	(pc) =	sbr.ind lr, $3  }
0x3a: {  	_ = 	snop  }
0x3b: {  	_ = 	snop  }
0x3c: {  	p2 =	seq.s32 s10, $0x1;
	s10 =	sld [smem:$0x3FB5]  }
0x3d: {  	_ =	shalt  }
0x3e: {  	_ =	shalt  }
0x3f: {  	_ =	shalt  }
0x40: {  	_ =	shalt  }
0x41: {  	_ =	shalt  }
0x42: {  	_ =	shalt  }
0x43: {  	_ =	shalt  }
0x44: {  	_ =	shalt  }
0x45: {  	_ =	shalt  }
0x46: {  	_ =	shalt  }
0x47: {  	_ =	shalt  }
0x48: {  	_ =	shalt  }
0x49: {  	_ =	shalt  }
0x4a: {  	_ =	shalt  }
0x4b: {  	_ =	shalt  }
0x4c: {  	_ =	shalt  }
0x4d: {  	_ =	shalt  }
0x4e: {  	_ =	shalt  }
0x4f: {  	_ =	shalt  }
0x50: {  	_ =	shalt  }
0x51: {  	_ =	shalt  }
0x52: {  	_ =	shalt  }
0x53: {  	_ =	shalt  }
0x54: {  	_ =	shalt  }
0x55: {  	_ =	shalt  }
0x56: {  	_ =	shalt  }
0x57: {  	_ =	shalt  }
0x58: {  	_ =	shalt  }
0x59: {  	_ =	shalt  }
0x5a: {  	_ =	shalt  }
0x5b: {  	_ =	shalt  }
0x5c: {  	_ =	shalt  }
0x5d: {  	_ =	shalt  }
0x5e: {  	_ =	shalt  }
0x5f: {  	_ =	shalt  }
0x60: {  	_ =	shalt  }
0x61: {  	_ =	shalt  }
0x62: {  	_ =	shalt  }
0x63: {  	_ =	shalt  }
0x64: {  	_ =	shalt  }
0x65: {  	_ =	shalt  }
0x66: {  	_ =	shalt  }
0x67: {  	_ =	shalt  }
0x68: {  	_ =	shalt  }
0x69: {  	_ =	shalt  }
0x6a: {  	_ =	shalt  }
0x6b: {  	_ =	shalt  }
0x6c: {  	_ =	shalt  }
0x6d: {  	_ =	shalt  }
0x6e: {  	_ =	shalt  }
0x6f: {  	_ =	shalt  }
0x70: {  	_ =	shalt  }
0x71: {  	_ =	shalt  }
0x72: {  	_ =	shalt  }
0x73: {  	_ =	shalt  }
0x74: {  	_ =	shalt  }
0x75: {  	_ =	shalt  }
0x76: {  	_ =	shalt  }
0x77: {  	_ =	shalt  }
0x78: {  	_ =	shalt  }
0x79: {  	_ =	shalt  }
0x7a: {  	_ =	shalt  }
0x7b: {  	_ =	shalt  }
0x7c: {  	_ =	shalt  }
0x7d: {  	_ =	shalt  }
0x7e: {  	_ =	shalt  }
0x7f: {  	_ =	shalt  }
0x80: {  	_ =	shalt  }
0x81: {  	_ =	shalt  }
0x82: {  	_ =	shalt  }
0x83: {  	_ =	shalt  }
0x84: {  	_ =	shalt  }
0x85: {  	_ =	shalt  }
0x86: {  	_ =	shalt  }
0x87: {  	_ =	shalt  }
.Lfunc_end0:
.L_simem_size_0:
called_computation_lowered:
.L_overlay_start_0:
0x88: {  	s2 =	sld [smem:$0x3FD9]  }
0x89: {  	s3 =	sld [smem:$0x3FFE];
	_ =	sdelay $0x1  }
0x8a: {  	s1 =	srdreg.scid  }
0x8b: {  	s0 =	sand.u32 $0x1, s1  }
0x8c: {  	s17 =	sshll.u32 s0, $0xA;
	s2 =	sadd.s32 s3, s2  }
0x8d: {  	s2 =	sadd.s32 s2, s17  }
0x8e: {  	[smem:$0x3FC1] =	sst s2  }
0x8f: {  	_ = 	snop  }
0x90: {  	s2 =	sld [smem:$0x3FD0];
	(tm) =	ssettm $0x1  }
0x91: {  	s18 =	sld [smem:$0x3FFB];
	_ =	sdelay $0x3  }
0x92: {  	_ =	strace s18  }
0x93: {  	s3 =	sld [smem:$0x3FFC];
	_ =	sdelay $0x3  }
0x94: {  	_ =	strace s3  }
0x95: {  	s3 =	sld [smem:$0x3FFD];
	_ =	sdelay $0x3  }
0x96: {  	_ =	strace s3  }
0x97: {  	_ =	strace $0x8FFFFFFF  }
0x98: {  	s19 =	sld [smem:$0x3FDB];
	_ =	sdelay $0x1  }
0x99: {  	s4 =	simm.s32 $_scs_section_size  }
0x9a: {  	s5 =	simm.s32 $_size__tile_overlayer_lowered;
	s6 =	simm.s32 $_tile_overlayer_lowered  }
0x9b: {  	s22 =	simm.s32 $0x1BFF;
	s21 =	sshll.u32 s6, $0x1;
	s3 =	sadd.s32 s4, s19  }
0x9c: {  	s7 =	simm.s32 $0x0;
	s20 =	sshll.u32 s5, $0x1;
	s5 =	sadd.s32 s21, s3  }
0x9d: {  	[timem:s7], [sflag:s22] =	dma.local [hbm:s5], s20  }
0x9e: {  	_ =	swait.ge [sflag:s22], s20  }
0x9f: {  	s4 =	ssub.s32 $0x0, s20;
	[sflag:s22] =	ssyncset.done $0x0  }
0xa0: {  	[sflag:s22] =	ssyncadd.s32 s4;
	_ =	sdelay $0x1  }
0xa1: {  	s23 =	simm.s32 $0x1B8B  }
0xa2: {  	_ =	swait.ge [sflag:s23], $0x1  }
0xa3: {  	[sflag:s23] =	ssyncset.done $0x0  }
0xa4: {  	s25 =	simm.s32 $0x1B8E;
	s24 =	sld [smem:$0x3FFE];
	[sflag:s23] =	ssyncadd.s32 $0xFFFFFFFF  }
0xa5: {  	s26 =	simm.s32 $execute0_lowered;
	[smem:$0x3FD2] =	sst s25  }
0xa6: {  	s5 =	sshll.u32 s26, $0x1;
	_ =	strace $0x80000046;
	[dreg:$0x1] =	wrdreg $0xFFFFFFFF  }
0xa7: {  	s28 =	simm.s32 $_size_execute0_lowered;
	s3 =	sadd.s32 s3, s5;
	[dreg:$0x0] =	wrdreg $0x0  }
0xa8: {  	s5 =	sshll.u32 s28, $0x1;
	[dreg:$0x2] =	wrdreg s3  }
0xa9: {  	[dreg:$0x3] =	wrdreg s5  }
0xaa: {  	[dreg:$0x4] =	wrdreg $0xC0  }
0xab: {  	_ =	task [dreg:s7], $0x5FFFF  }
0xac: {  	[dreg:$0x1] =	wrdreg $0xFFFFFFFF  }
0xad: {  	[dreg:$0x0] =	wrdreg $0x60  }
0xae: {  	[dreg:$0x2] =	wrdreg s24  }
0xaf: {  	[dreg:$0x3] =	wrdreg s2  }
0xb0: {  	[dreg:$0x4] =	wrdreg $0x9  }
0xb1: {  	_ =	task.clear_ibuf [dreg:s7], $0x5FFFF;
	_ =	strace $0x90000046  }
0xb2: {  	s29 =	simm.s32 $0x9;
	_ =	strace $0x80000048  }
0xb3: {  	_ =	swait.ge [sflag:s29], $0x1  }
0xb4: {  	[sflag:s29] =	ssyncadd.s32 $0xFFFFFFFF  }
0xb5: {  	_ =	strace $0x90000048  }
0xb6: {  	_ =	sfence  }
0xb7: {  	s30 =	sld [smem:$0x0];
	_ =	sdelay $0x2  }
0xb8: {  	s31 =	sshll.u32 s1, $0xD;
	s1 =	sshrl.u32 s1, $0x2  }
0xb9: {  	s3 =	sand.u32 $0x4000, s31;
	s1 =	sadd.s32 s1, s30  }
0xba: {  	s0 =	sor.u32 s3, s0;
	s1 =	sshll.u32 s1, $0x11  }
0xbb: {  	s0 =	sor.u32 s1, s0  }
0xbc: {  	s0 =	sadd.s32 $0x8F2B, s0  }
0xbd: {  	[sflag:s0] =	ssyncadd.remote.s32 $0x1  }
0xbe: {  	_ =	sfence.sel $0xFFFF  }
0xbf: {  	[dreg:$0x0] =	wrdreg $0xFFFFFFFF;
	(pc) =	sbr.abs _section_cstart, $3  }
0xc0: {  	[dreg:$0x1] =	wrdreg $0xFFFFFFFF  }
0xc1: {  	_ =	task.clear_ibuf [dreg:s7], $0x2FFFF;
	_ =	strace $0x9FFFFFFF  }
0xc2: {  	(tm) =	ssettm $0x7FFFFFFF  }
0xc3: {  	_ =	shalt  }
tec
execute0_lowered:
.L_overlay_start_1:
0x0: {  	(tag) =	ssettag $0x1  }
0x1: {  	s4 =	rddreg [dreg:$0x0];
	s1 =	srdreg.scid  }
0x2: {  	s0 =	stileid.u32;
	s29 =	rddreg [dreg:$0x1]  }
0x3: {  	s2 =	simm.s32 $0x0;
	s1 =	sand.u32 $0x1, s1;
	s3 =	sshll.u32 s0, $0x1  }
0x4: {  	[smem:$0x7FF] =	sst s2;
	s3 =	sor.u32 s1, s3  }
0x5: {  	[dreg:$0x16] =	wrdreg s1;
	s30 =	smul.u32 $0xA00, s3  }
0x6: {  	s31 =	sadd.s32 $0x11000, s4;
	_ =	strace $0x80000047;
	s3 =	smul.u32 $0xA000, s3  }
0x7: {  	s5 =	sshrl.u32 s30, $0x3;
	s6 =	sor.u32 $0x80, s30;
	s23 =	sor.u32 $0x100, s30  }
0x8: {  	s3 =	sadd.s32 s31, s3;
	s1 =	sor.u32 $0x180, s30;
	s9 =	sadd.s32 $0x200, s30  }
0x9: {  	s14 =	sadd.s32 $0x280, s30;
	s17 =	sadd.s32 $0x300, s30;
	s5 =	sadd.s32 s29, s5  }
0xa: {  	s7 =	sshrl.u32 s6, $0x3;
	s24 =	sshrl.u32 s23, $0x3;
	[dreg:$0x5] =	wrdreg s3  }
0xb: {  	s26 =	sshll.u32 s6, $0x4;
	[dreg:$0x3] =	wrdreg s5;
	s22 =	sadd.s32 s29, s7  }
0xc: {  	s6 =	sshrl.u32 s1, $0x3;
	s25 =	sadd.s32 s29, s24;
	[dreg:$0x4] =	wrdreg s22  }
0xd: {  	s8 =	sshll.u32 s23, $0x4;
	s0 =	sadd.s32 s31, s26;
	[dreg:$0x6] =	wrdreg s25  }
0xe: {  	s11 =	sshrl.u32 s9, $0x3;
	s3 =	sadd.s32 s29, s6;
	[dreg:$0x7] =	wrdreg s0  }
0xf: {  	s15 =	sshrl.u32 s14, $0x3;
	s10 =	sadd.s32 s31, s8;
	[dreg:$0x8] =	wrdreg s3  }
0x10: {  	s16 =	sshll.u32 s9, $0x4;
	s12 =	sadd.s32 s29, s11;
	[dreg:$0x9] =	wrdreg s10  }
0x11: {  	s19 =	sshrl.u32 s17, $0x3;
	s18 =	sadd.s32 s31, s16;
	[dreg:$0xa] =	wrdreg s12  }
0x12: {  	s5 =	sshll.u32 s1, $0x4;
	s20 =	sadd.s32 s29, s19;
	[dreg:$0xd] =	wrdreg s18  }
0x13: {  	s24 =	sshll.u32 s17, $0x4;
	s11 =	sadd.s32 $0x480, s30;
	[dreg:$0xe] =	wrdreg s20  }
0x14: {  	s13 =	sadd.s32 s31, s5;
	s3 =	sadd.s32 s29, s15;
	s8 =	rddreg [dreg:$0x3]  }
0x15: {  	s5 =	sshll.u32 s14, $0x4;
	s22 =	sadd.s32 $0x380, s30;
	[dreg:$0xb] =	wrdreg s13  }
0x16: {  	s25 =	sadd.s32 $0x400, s30;
	s26 =	sadd.s32 s31, s24;
	[dreg:$0xc] =	wrdreg s3  }
0x17: {  	s21 =	sadd.s32 s31, s5;
	s23 =	sshrl.u32 s22, $0x3;
	[dreg:$0x11] =	wrdreg s26  }
0x18: {  	[tilespmem:s2], [sflag:$0x3] =	stream.linear.gather [hbm4b:s8+s2], $0x80, $0x38;
	[tilespmem:$0x8100] =	vst v63  }
0x19: {  	s0 =	sshrl.u32 s25, $0x3;
	[dreg:$0xf] =	wrdreg s21;
	s3 =	sadd.s32 s29, s23  }
0x1a: {  	s5 =	sshll.u32 s22, $0x4;
	s1 =	sadd.s32 s29, s0;
	[dreg:$0x10] =	wrdreg s3  }
0x1b: {  	s7 =	sshll.u32 s25, $0x4;
	s5 =	sadd.s32 s31, s5;
	[dreg:$0x12] =	wrdreg s1  }
0x1c: {  	s6 =	sshrl.u32 s11, $0x3;
	s9 =	sadd.s32 s31, s7;
	[dreg:$0x13] =	wrdreg s5  }
0x1d: {  	s3 =	sadd.s32 s29, s6;
	[dreg:$0x15] =	wrdreg s9  }
0x1e: {  	[dreg:$0x14] =	wrdreg s3;
	s3 =	simm.s32 $0x3  }
0x1f: {  	_ =	swait.ge [sflag:s3], $0x80  }
0x20: {  	s4 =	sadd.s32 $0x1000, s4;
	[sflag:s3] =	ssyncset.done $0x0  }
0x21: {  	s5 =	simm.s32 $0x80;
	s6 =	simm.s32 $0x100;
	[sflag:s3] =	ssyncadd.s32 $0xFFFFFF80  }
0x22: {  	[tilespmem:s6], [sflag:$0x1] =	stream.indirect.gather [hbm4b:s4+s5], $0x80, s2, s5, $0xb8;
	[tilespmem:$0x8100] =	vst v63  }
0x23: {  	s10 =	rddreg [dreg:$0x4]  }
0x24: {  	[tilespmem:s5], [sflag:$0x3] =	stream.linear.gather [hbm4b:s10+s2], $0x80, $0x38;
	[tilespmem:$0x8100] =	vst v63  }
0x25: {  	_ =	swait.ge [sflag:s3], $0x80  }
0x26: {  	[sflag:s3] =	ssyncset.done $0x0  }
0x27: {  	s8 =	simm.s32 $0x1;
	s7 =	simm.s32 $0x4100;
	[sflag:s3] =	ssyncadd.s32 $0xFFFFFF80  }
0x28: {  	[tilespmem:s7], [sflag:$0x2] =	stream.indirect.gather [hbm4b:s4+s5], $0x80, s5, s5, $0xb8;
	[tilespmem:$0x8100] =	vst v63  }
0x29: {  	_ =	swait.ge [sflag:s8], $0x4000  }
0x2a: {  	[sflag:s8] =	ssyncset.done $0x0  }
0x2b: {  	s9 =	rddreg [dreg:$0x5];
	[sflag:s8] =	ssyncadd.s32 $0xFFFFC000  }
0x2c: {  	[hbm4b:s9+s2] =	stream.linear.scatter [tilespmem:s6], [sflag:$0x3], $0x4000, $0x38;
	[tilespmem:$0x8100] =	vst v63  }
0x2d: {  	_ =	swait.ge [sflag:s3], $0x4000  }
0x2e: {  	[sflag:s3] =	ssyncset.done $0x0  }
0x2f: {  	s12 =	rddreg [dreg:$0x6];
	[sflag:s3] =	ssyncadd.s32 $0xFFFFC000  }
0x30: {  	[tilespmem:s2], [sflag:$0x3] =	stream.linear.gather [hbm4b:s12+s2], $0x80, $0x38;
	[tilespmem:$0x8100] =	vst v63  }
0x31: {  	_ =	swait.ge [sflag:s3], $0x80  }
0x32: {  	[sflag:s3] =	ssyncset.done $0x0  }
0x33: {  	s9 =	simm.s32 $0x2;
	[sflag:s3] =	ssyncadd.s32 $0xFFFFFF80  }
0x34: {  	[tilespmem:s6], [sflag:$0x1] =	stream.indirect.gather [hbm4b:s4+s5], $0x80, s2, s5, $0xb8;
	[tilespmem:$0x8100] =	vst v63  }
0x35: {  	_ =	swait.ge [sflag:s9], $0x4000  }
0x36: {  	[sflag:s9] =	ssyncset.done $0x0  }
0x37: {  	s10 =	rddreg [dreg:$0x7];
	[sflag:s9] =	ssyncadd.s32 $0xFFFFC000  }
0x38: {  	[hbm4b:s10+s2] =	stream.linear.scatter [tilespmem:s7], [sflag:$0x3], $0x4000, $0x38;
	[tilespmem:$0x8100] =	vst v63  }
0x39: {  	_ =	swait.ge [sflag:s3], $0x4000  }
0x3a: {  	[sflag:s3] =	ssyncset.done $0x0  }
0x3b: {  	s13 =	rddreg [dreg:$0x8];
	[sflag:s3] =	ssyncadd.s32 $0xFFFFC000  }
0x3c: {  	[tilespmem:s5], [sflag:$0x3] =	stream.linear.gather [hbm4b:s13+s2], $0x80, $0x38;
	[tilespmem:$0x8100] =	vst v63  }
0x3d: {  	_ =	swait.ge [sflag:s3], $0x80  }
0x3e: {  	[sflag:s3] =	ssyncset.done $0x0  }
0x3f: {  	[sflag:s3] =	ssyncadd.s32 $0xFFFFFF80  }
0x40: {  	[tilespmem:s7], [sflag:$0x2] =	stream.indirect.gather [hbm4b:s4+s5], $0x80, s5, s5, $0xb8;
	[tilespmem:$0x8100] =	vst v63  }
0x41: {  	_ =	swait.ge [sflag:s8], $0x4000  }
0x42: {  	[sflag:s8] =	ssyncset.done $0x0  }
0x43: {  	s14 =	rddreg [dreg:$0x9];
	[sflag:s8] =	ssyncadd.s32 $0xFFFFC000  }
0x44: {  	[hbm4b:s14+s2] =	stream.linear.scatter [tilespmem:s6], [sflag:$0x3], $0x4000, $0x38;
	[tilespmem:$0x8100] =	vst v63  }
0x45: {  	_ =	swait.ge [sflag:s3], $0x4000  }
0x46: {  	[sflag:s3] =	ssyncset.done $0x0  }
0x47: {  	s15 =	rddreg [dreg:$0xa];
	[sflag:s3] =	ssyncadd.s32 $0xFFFFC000  }
0x48: {  	[tilespmem:s2], [sflag:$0x3] =	stream.linear.gather [hbm4b:s15+s2], $0x80, $0x38;
	[tilespmem:$0x8100] =	vst v63  }
0x49: {  	_ =	swait.ge [sflag:s3], $0x80  }
0x4a: {  	[sflag:s3] =	ssyncset.done $0x0  }
0x4b: {  	[sflag:s3] =	ssyncadd.s32 $0xFFFFFF80  }
0x4c: {  	[tilespmem:s6], [sflag:$0x1] =	stream.indirect.gather [hbm4b:s4+s5], $0x80, s2, s5, $0xb8;
	[tilespmem:$0x8100] =	vst v63  }
0x4d: {  	_ =	swait.ge [sflag:s9], $0x4000  }
0x4e: {  	[sflag:s9] =	ssyncset.done $0x0  }
0x4f: {  	s16 =	rddreg [dreg:$0xb];
	[sflag:s9] =	ssyncadd.s32 $0xFFFFC000  }
0x50: {  	[hbm4b:s16+s2] =	stream.linear.scatter [tilespmem:s7], [sflag:$0x3], $0x4000, $0x38;
	[tilespmem:$0x8100] =	vst v63  }
0x51: {  	_ =	swait.ge [sflag:s3], $0x4000  }
0x52: {  	[sflag:s3] =	ssyncset.done $0x0  }
0x53: {  	s17 =	rddreg [dreg:$0xc];
	[sflag:s3] =	ssyncadd.s32 $0xFFFFC000  }
0x54: {  	[tilespmem:s5], [sflag:$0x3] =	stream.linear.gather [hbm4b:s17+s2], $0x80, $0x38;
	[tilespmem:$0x8100] =	vst v63  }
0x55: {  	_ =	swait.ge [sflag:s3], $0x80  }
0x56: {  	[sflag:s3] =	ssyncset.done $0x0  }
0x57: {  	[sflag:s3] =	ssyncadd.s32 $0xFFFFFF80  }
0x58: {  	[tilespmem:s7], [sflag:$0x2] =	stream.indirect.gather [hbm4b:s4+s5], $0x80, s5, s5, $0xb8;
	[tilespmem:$0x8100] =	vst v63  }
0x59: {  	_ =	swait.ge [sflag:s8], $0x4000  }
0x5a: {  	[sflag:s8] =	ssyncset.done $0x0  }
0x5b: {  	s18 =	rddreg [dreg:$0xd];
	[sflag:s8] =	ssyncadd.s32 $0xFFFFC000  }
0x5c: {  	[hbm4b:s18+s2] =	stream.linear.scatter [tilespmem:s6], [sflag:$0x3], $0x4000, $0x38;
	[tilespmem:$0x8100] =	vst v63  }
0x5d: {  	_ =	swait.ge [sflag:s3], $0x4000  }
0x5e: {  	[sflag:s3] =	ssyncset.done $0x0  }
0x5f: {  	s19 =	rddreg [dreg:$0xe];
	[sflag:s3] =	ssyncadd.s32 $0xFFFFC000  }
0x60: {  	[tilespmem:s2], [sflag:$0x3] =	stream.linear.gather [hbm4b:s19+s2], $0x80, $0x38;
	[tilespmem:$0x8100] =	vst v63  }
0x61: {  	_ =	swait.ge [sflag:s3], $0x80  }
0x62: {  	[sflag:s3] =	ssyncset.done $0x0  }
0x63: {  	[sflag:s3] =	ssyncadd.s32 $0xFFFFFF80  }
0x64: {  	[tilespmem:s6], [sflag:$0x1] =	stream.indirect.gather [hbm4b:s4+s5], $0x80, s2, s5, $0xb8;
	[tilespmem:$0x8100] =	vst v63  }
0x65: {  	_ =	swait.ge [sflag:s9], $0x4000  }
0x66: {  	[sflag:s9] =	ssyncset.done $0x0  }
0x67: {  	s20 =	rddreg [dreg:$0xf];
	[sflag:s9] =	ssyncadd.s32 $0xFFFFC000  }
0x68: {  	[hbm4b:s20+s2] =	stream.linear.scatter [tilespmem:s7], [sflag:$0x3], $0x4000, $0x38;
	[tilespmem:$0x8100] =	vst v63  }
0x69: {  	_ =	swait.ge [sflag:s3], $0x4000  }
0x6a: {  	[sflag:s3] =	ssyncset.done $0x0  }
0x6b: {  	s21 =	rddreg [dreg:$0x10];
	[sflag:s3] =	ssyncadd.s32 $0xFFFFC000  }
0x6c: {  	[tilespmem:s5], [sflag:$0x3] =	stream.linear.gather [hbm4b:s21+s2], $0x80, $0x38;
	[tilespmem:$0x8100] =	vst v63  }
0x6d: {  	_ =	swait.ge [sflag:s3], $0x80  }
0x6e: {  	[sflag:s3] =	ssyncset.done $0x0  }
0x6f: {  	[sflag:s3] =	ssyncadd.s32 $0xFFFFFF80  }
0x70: {  	[tilespmem:s7], [sflag:$0x2] =	stream.indirect.gather [hbm4b:s4+s5], $0x80, s5, s5, $0xb8;
	[tilespmem:$0x8100] =	vst v63  }
0x71: {  	_ =	swait.ge [sflag:s8], $0x4000  }
0x72: {  	[sflag:s8] =	ssyncset.done $0x0  }
0x73: {  	s22 =	rddreg [dreg:$0x11];
	[sflag:s8] =	ssyncadd.s32 $0xFFFFC000  }
0x74: {  	[hbm4b:s22+s2] =	stream.linear.scatter [tilespmem:s6], [sflag:$0x3], $0x4000, $0x38;
	[tilespmem:$0x8100] =	vst v63  }
0x75: {  	_ =	swait.ge [sflag:s3], $0x4000  }
0x76: {  	[sflag:s3] =	ssyncset.done $0x0  }
0x77: {  	s23 =	rddreg [dreg:$0x12];
	[sflag:s3] =	ssyncadd.s32 $0xFFFFC000  }
0x78: {  	[tilespmem:s2], [sflag:$0x3] =	stream.linear.gather [hbm4b:s23+s2], $0x80, $0x38;
	[tilespmem:$0x8100] =	vst v63  }
0x79: {  	_ =	swait.ge [sflag:s3], $0x80  }
0x7a: {  	[sflag:s3] =	ssyncset.done $0x0  }
0x7b: {  	[sflag:s3] =	ssyncadd.s32 $0xFFFFFF80  }
0x7c: {  	[tilespmem:s6], [sflag:$0x1] =	stream.indirect.gather [hbm4b:s4+s5], $0x80, s2, s5, $0xb8;
	[tilespmem:$0x8100] =	vst v63  }
0x7d: {  	_ =	swait.ge [sflag:s9], $0x4000  }
0x7e: {  	[sflag:s9] =	ssyncset.done $0x0  }
0x7f: {  	s24 =	rddreg [dreg:$0x13];
	[sflag:s9] =	ssyncadd.s32 $0xFFFFC000  }
0x80: {  	[hbm4b:s24+s2] =	stream.linear.scatter [tilespmem:s7], [sflag:$0x3], $0x4000, $0x38;
	[tilespmem:$0x8100] =	vst v63  }
0x81: {  	_ =	swait.ge [sflag:s3], $0x4000  }
0x82: {  	[sflag:s3] =	ssyncset.done $0x0  }
0x83: {  	s25 =	rddreg [dreg:$0x14];
	[sflag:s3] =	ssyncadd.s32 $0xFFFFC000  }
0x84: {  	[tilespmem:s5], [sflag:$0x3] =	stream.linear.gather [hbm4b:s25+s2], $0x80, $0x38;
	[tilespmem:$0x8100] =	vst v63  }
0x85: {  	_ =	swait.ge [sflag:s3], $0x80  }
0x86: {  	[sflag:s3] =	ssyncset.done $0x0  }
0x87: {  	[sflag:s3] =	ssyncadd.s32 $0xFFFFFF80  }
0x88: {  	[tilespmem:s7], [sflag:$0x2] =	stream.indirect.gather [hbm4b:s4+s5], $0x80, s5, s5, $0xb8;
	[tilespmem:$0x8100] =	vst v63  }
0x89: {  	_ =	swait.ge [sflag:s8], $0x4000  }
0x8a: {  	[sflag:s8] =	ssyncset.done $0x0  }
0x8b: {  	s26 =	rddreg [dreg:$0x15];
	[sflag:s8] =	ssyncadd.s32 $0xFFFFC000  }
0x8c: {  	[hbm4b:s26+s2] =	stream.linear.scatter [tilespmem:s6], [sflag:$0x3], $0x4000, $0x38;
	[tilespmem:$0x8100] =	vst v63  }
0x8d: {  	s13 =	sadd.s32 $0x500, s30;
	_ =	swait.ge [sflag:s3], $0x4000  }
0x8e: {  	s0 =	sshrl.u32 s13, $0x3;
	[sflag:s3] =	ssyncset.done $0x0  }
0x8f: {  	s10 =	sadd.s32 s29, s0;
	[sflag:s3] =	ssyncadd.s32 $0xFFFFC000  }
0x90: {  	[tilespmem:s2], [sflag:$0x3] =	stream.linear.gather [hbm4b:s10+s2], $0x80, $0x38;
	[tilespmem:$0x8100] =	vst v63  }
0x91: {  	_ =	swait.ge [sflag:s3], $0x80  }
0x92: {  	[sflag:s3] =	ssyncset.done $0x0  }
0x93: {  	[sflag:s3] =	ssyncadd.s32 $0xFFFFFF80  }
0x94: {  	[tilespmem:s6], [sflag:$0x1] =	stream.indirect.gather [hbm4b:s4+s5], $0x80, s2, s5, $0xb8;
	[tilespmem:$0x8100] =	vst v63  }
0x95: {  	_ =	swait.ge [sflag:s9], $0x4000  }
0x96: {  	s11 =	sshll.u32 s11, $0x4;
	[sflag:s9] =	ssyncset.done $0x0  }
0x97: {  	s11 =	sadd.s32 s31, s11;
	[sflag:s9] =	ssyncadd.s32 $0xFFFFC000  }
0x98: {  	[hbm4b:s11+s2] =	stream.linear.scatter [tilespmem:s7], [sflag:$0x3], $0x4000, $0x38;
	[tilespmem:$0x8100] =	vst v63  }
0x99: {  	s15 =	sadd.s32 $0x580, s30;
	_ =	swait.ge [sflag:s3], $0x4000  }
0x9a: {  	s12 =	sshrl.u32 s15, $0x3;
	[sflag:s3] =	ssyncset.done $0x0  }
0x9b: {  	s12 =	sadd.s32 s29, s12;
	[sflag:s3] =	ssyncadd.s32 $0xFFFFC000  }
0x9c: {  	[tilespmem:s5], [sflag:$0x3] =	stream.linear.gather [hbm4b:s12+s2], $0x80, $0x38;
	[tilespmem:$0x8100] =	vst v63  }
0x9d: {  	_ =	swait.ge [sflag:s3], $0x80  }
0x9e: {  	[sflag:s3] =	ssyncset.done $0x0  }
0x9f: {  	[sflag:s3] =	ssyncadd.s32 $0xFFFFFF80  }
0xa0: {  	[tilespmem:s7], [sflag:$0x2] =	stream.indirect.gather [hbm4b:s4+s5], $0x80, s5, s5, $0xb8;
	[tilespmem:$0x8100] =	vst v63  }
0xa1: {  	_ =	swait.ge [sflag:s8], $0x4000  }
0xa2: {  	s13 =	sshll.u32 s13, $0x4;
	[sflag:s8] =	ssyncset.done $0x0  }
0xa3: {  	s13 =	sadd.s32 s31, s13;
	[sflag:s8] =	ssyncadd.s32 $0xFFFFC000  }
0xa4: {  	[hbm4b:s13+s2] =	stream.linear.scatter [tilespmem:s6], [sflag:$0x3], $0x4000, $0x38;
	[tilespmem:$0x8100] =	vst v63  }
0xa5: {  	s17 =	sadd.s32 $0x600, s30;
	_ =	swait.ge [sflag:s3], $0x4000  }
0xa6: {  	s14 =	sshrl.u32 s17, $0x3;
	[sflag:s3] =	ssyncset.done $0x0  }
0xa7: {  	s14 =	sadd.s32 s29, s14;
	[sflag:s3] =	ssyncadd.s32 $0xFFFFC000  }
0xa8: {  	[tilespmem:s2], [sflag:$0x3] =	stream.linear.gather [hbm4b:s14+s2], $0x80, $0x38;
	[tilespmem:$0x8100] =	vst v63  }
0xa9: {  	_ =	swait.ge [sflag:s3], $0x80  }
0xaa: {  	[sflag:s3] =	ssyncset.done $0x0  }
0xab: {  	[sflag:s3] =	ssyncadd.s32 $0xFFFFFF80  }
0xac: {  	[tilespmem:s6], [sflag:$0x1] =	stream.indirect.gather [hbm4b:s4+s5], $0x80, s2, s5, $0xb8;
	[tilespmem:$0x8100] =	vst v63  }
0xad: {  	_ =	swait.ge [sflag:s9], $0x4000  }
0xae: {  	s15 =	sshll.u32 s15, $0x4;
	[sflag:s9] =	ssyncset.done $0x0  }
0xaf: {  	s15 =	sadd.s32 s31, s15;
	[sflag:s9] =	ssyncadd.s32 $0xFFFFC000  }
0xb0: {  	[hbm4b:s15+s2] =	stream.linear.scatter [tilespmem:s7], [sflag:$0x3], $0x4000, $0x38;
	[tilespmem:$0x8100] =	vst v63  }
0xb1: {  	s19 =	sadd.s32 $0x680, s30;
	_ =	swait.ge [sflag:s3], $0x4000  }
0xb2: {  	s16 =	sshrl.u32 s19, $0x3;
	[sflag:s3] =	ssyncset.done $0x0  }
0xb3: {  	s16 =	sadd.s32 s29, s16;
	[sflag:s3] =	ssyncadd.s32 $0xFFFFC000  }
0xb4: {  	[tilespmem:s5], [sflag:$0x3] =	stream.linear.gather [hbm4b:s16+s2], $0x80, $0x38;
	[tilespmem:$0x8100] =	vst v63  }
0xb5: {  	_ =	swait.ge [sflag:s3], $0x80  }
0xb6: {  	[sflag:s3] =	ssyncset.done $0x0  }
0xb7: {  	[sflag:s3] =	ssyncadd.s32 $0xFFFFFF80  }
0xb8: {  	[tilespmem:s7], [sflag:$0x2] =	stream.indirect.gather [hbm4b:s4+s5], $0x80, s5, s5, $0xb8;
	[tilespmem:$0x8100] =	vst v63  }
0xb9: {  	_ =	swait.ge [sflag:s8], $0x4000  }
0xba: {  	s17 =	sshll.u32 s17, $0x4;
	[sflag:s8] =	ssyncset.done $0x0  }
0xbb: {  	s17 =	sadd.s32 s31, s17;
	[sflag:s8] =	ssyncadd.s32 $0xFFFFC000  }
0xbc: {  	[hbm4b:s17+s2] =	stream.linear.scatter [tilespmem:s6], [sflag:$0x3], $0x4000, $0x38;
	[tilespmem:$0x8100] =	vst v63  }
0xbd: {  	s21 =	sadd.s32 $0x700, s30;
	_ =	swait.ge [sflag:s3], $0x4000  }
0xbe: {  	s18 =	sshrl.u32 s21, $0x3;
	[sflag:s3] =	ssyncset.done $0x0  }
0xbf: {  	s18 =	sadd.s32 s29, s18;
	[sflag:s3] =	ssyncadd.s32 $0xFFFFC000  }
0xc0: {  	[tilespmem:s2], [sflag:$0x3] =	stream.linear.gather [hbm4b:s18+s2], $0x80, $0x38;
	[tilespmem:$0x8100] =	vst v63  }
0xc1: {  	_ =	swait.ge [sflag:s3], $0x80  }
0xc2: {  	[sflag:s3] =	ssyncset.done $0x0  }
0xc3: {  	[sflag:s3] =	ssyncadd.s32 $0xFFFFFF80  }
0xc4: {  	[tilespmem:s6], [sflag:$0x1] =	stream.indirect.gather [hbm4b:s4+s5], $0x80, s2, s5, $0xb8;
	[tilespmem:$0x8100] =	vst v63  }
0xc5: {  	_ =	swait.ge [sflag:s9], $0x4000  }
0xc6: {  	s19 =	sshll.u32 s19, $0x4;
	[sflag:s9] =	ssyncset.done $0x0  }
0xc7: {  	s19 =	sadd.s32 s31, s19;
	[sflag:s9] =	ssyncadd.s32 $0xFFFFC000  }
0xc8: {  	[hbm4b:s19+s2] =	stream.linear.scatter [tilespmem:s7], [sflag:$0x3], $0x4000, $0x38;
	[tilespmem:$0x8100] =	vst v63  }
0xc9: {  	s23 =	sadd.s32 $0x780, s30;
	_ =	swait.ge [sflag:s3], $0x4000  }
0xca: {  	s20 =	sshrl.u32 s23, $0x3;
	[sflag:s3] =	ssyncset.done $0x0  }
0xcb: {  	s20 =	sadd.s32 s29, s20;
	[sflag:s3] =	ssyncadd.s32 $0xFFFFC000  }
0xcc: {  	[tilespmem:s5], [sflag:$0x3] =	stream.linear.gather [hbm4b:s20+s2], $0x80, $0x38;
	[tilespmem:$0x8100] =	vst v63  }
0xcd: {  	_ =	swait.ge [sflag:s3], $0x80  }
0xce: {  	[sflag:s3] =	ssyncset.done $0x0  }
0xcf: {  	[sflag:s3] =	ssyncadd.s32 $0xFFFFFF80  }
0xd0: {  	[tilespmem:s7], [sflag:$0x2] =	stream.indirect.gather [hbm4b:s4+s5], $0x80, s5, s5, $0xb8;
	[tilespmem:$0x8100] =	vst v63  }
0xd1: {  	_ =	swait.ge [sflag:s8], $0x4000  }
0xd2: {  	s21 =	sshll.u32 s21, $0x4;
	[sflag:s8] =	ssyncset.done $0x0  }
0xd3: {  	s21 =	sadd.s32 s31, s21;
	[sflag:s8] =	ssyncadd.s32 $0xFFFFC000  }
0xd4: {  	[hbm4b:s21+s2] =	stream.linear.scatter [tilespmem:s6], [sflag:$0x3], $0x4000, $0x38;
	[tilespmem:$0x8100] =	vst v63  }
0xd5: {  	s25 =	sadd.s32 $0x800, s30;
	_ =	swait.ge [sflag:s3], $0x4000  }
0xd6: {  	s22 =	sshrl.u32 s25, $0x3;
	[sflag:s3] =	ssyncset.done $0x0  }
0xd7: {  	s22 =	sadd.s32 s29, s22;
	[sflag:s3] =	ssyncadd.s32 $0xFFFFC000  }
0xd8: {  	[tilespmem:s2], [sflag:$0x3] =	stream.linear.gather [hbm4b:s22+s2], $0x80, $0x38;
	[tilespmem:$0x8100] =	vst v63  }
0xd9: {  	_ =	swait.ge [sflag:s3], $0x80  }
0xda: {  	[sflag:s3] =	ssyncset.done $0x0  }
0xdb: {  	[sflag:s3] =	ssyncadd.s32 $0xFFFFFF80  }
0xdc: {  	[tilespmem:s6], [sflag:$0x1] =	stream.indirect.gather [hbm4b:s4+s5], $0x80, s2, s5, $0xb8;
	[tilespmem:$0x8100] =	vst v63  }
0xdd: {  	_ =	swait.ge [sflag:s9], $0x4000  }
0xde: {  	s23 =	sshll.u32 s23, $0x4;
	[sflag:s9] =	ssyncset.done $0x0  }
0xdf: {  	s23 =	sadd.s32 s31, s23;
	[sflag:s9] =	ssyncadd.s32 $0xFFFFC000  }
0xe0: {  	[hbm4b:s23+s2] =	stream.linear.scatter [tilespmem:s7], [sflag:$0x3], $0x4000, $0x38;
	[tilespmem:$0x8100] =	vst v63  }
0xe1: {  	s28 =	sadd.s32 $0x880, s30;
	_ =	swait.ge [sflag:s3], $0x4000  }
0xe2: {  	s24 =	sshrl.u32 s28, $0x3;
	[sflag:s3] =	ssyncset.done $0x0  }
0xe3: {  	s24 =	sadd.s32 s29, s24;
	[sflag:s3] =	ssyncadd.s32 $0xFFFFC000  }
0xe4: {  	[tilespmem:s5], [sflag:$0x3] =	stream.linear.gather [hbm4b:s24+s2], $0x80, $0x38;
	[tilespmem:$0x8100] =	vst v63  }
0xe5: {  	_ =	swait.ge [sflag:s3], $0x80  }
0xe6: {  	[sflag:s3] =	ssyncset.done $0x0  }
0xe7: {  	[sflag:s3] =	ssyncadd.s32 $0xFFFFFF80  }
0xe8: {  	[tilespmem:s7], [sflag:$0x2] =	stream.indirect.gather [hbm4b:s4+s5], $0x80, s5, s5, $0xb8;
	[tilespmem:$0x8100] =	vst v63  }
0xe9: {  	_ =	swait.ge [sflag:s8], $0x4000  }
0xea: {  	s25 =	sshll.u32 s25, $0x4;
	[sflag:s8] =	ssyncset.done $0x0  }
0xeb: {  	s25 =	sadd.s32 s31, s25;
	[sflag:s8] =	ssyncadd.s32 $0xFFFFC000  }
0xec: {  	[hbm4b:s25+s2] =	stream.linear.scatter [tilespmem:s6], [sflag:$0x3], $0x4000, $0x38;
	[tilespmem:$0x8100] =	vst v63  }
0xed: {  	s1 =	sadd.s32 $0x900, s30;
	_ =	swait.ge [sflag:s3], $0x4000  }
0xee: {  	s26 =	sshrl.u32 s1, $0x3;
	[sflag:s3] =	ssyncset.done $0x0  }
0xef: {  	s26 =	sadd.s32 s29, s26;
	[sflag:s3] =	ssyncadd.s32 $0xFFFFC000  }
0xf0: {  	[tilespmem:s2], [sflag:$0x3] =	stream.linear.gather [hbm4b:s26+s2], $0x80, $0x38;
	[tilespmem:$0x8100] =	vst v63  }
0xf1: {  	_ =	swait.ge [sflag:s3], $0x80  }
0xf2: {  	[sflag:s3] =	ssyncset.done $0x0  }
0xf3: {  	[sflag:s3] =	ssyncadd.s32 $0xFFFFFF80  }
0xf4: {  	[tilespmem:s6], [sflag:$0x1] =	stream.indirect.gather [hbm4b:s4+s5], $0x80, s2, s5, $0xb8;
	[tilespmem:$0x8100] =	vst v63  }
0xf5: {  	_ =	swait.ge [sflag:s9], $0x4000  }
0xf6: {  	s28 =	sshll.u32 s28, $0x4;
	[sflag:s9] =	ssyncset.done $0x0  }
0xf7: {  	s28 =	sadd.s32 s31, s28;
	[dreg:$0x17] =	wrdreg s31;
	[sflag:s9] =	ssyncadd.s32 $0xFFFFC000  }
0xf8: {  	[hbm4b:s28+s2] =	stream.linear.scatter [tilespmem:s7], [sflag:$0x3], $0x4000, $0x38;
	[tilespmem:$0x8100] =	vst v63  }
0xf9: {  	s0 =	sadd.s32 $0x980, s30;
	_ =	swait.ge [sflag:s3], $0x4000  }
0xfa: {  	s30 =	sshrl.u32 s0, $0x3;
	[sflag:s3] =	ssyncset.done $0x0  }
0xfb: {  	s29 =	sadd.s32 s29, s30;
	[sflag:s3] =	ssyncadd.s32 $0xFFFFC000  }
0xfc: {  	[tilespmem:s5], [sflag:$0x3] =	stream.linear.gather [hbm4b:s29+s2], $0x80, $0x38;
	[tilespmem:$0x8100] =	vst v63  }
0xfd: {  	_ =	swait.ge [sflag:s3], $0x80  }
0xfe: {  	[sflag:s3] =	ssyncset.done $0x0  }
0xff: {  	[sflag:s3] =	ssyncadd.s32 $0xFFFFFF80  }
0x100: {  	[tilespmem:s7], [sflag:$0x2] =	stream.indirect.gather [hbm4b:s4+s5], $0x80, s5, s5, $0xb8;
	[tilespmem:$0x8100] =	vst v63  }
0x101: {  	_ =	swait.ge [sflag:s8], $0x4000  }
0x102: {  	s1 =	sshll.u32 s1, $0x4;
	[sflag:s8] =	ssyncset.done $0x0  }
0x103: {  	s30 =	sadd.s32 s31, s1;
	[sflag:s8] =	ssyncadd.s32 $0xFFFFC000  }
0x104: {  	[hbm4b:s30+s2] =	stream.linear.scatter [tilespmem:s6], [sflag:$0x3], $0x4000, $0x38;
	[tilespmem:$0x8100] =	vst v63  }
0x105: {  	_ =	swait.ge [sflag:s3], $0x4000  }
0x106: {  	s1 =	rddreg [dreg:$0x16]  }
0x107: {  	s1 =	ssub.s32 $0x2, s1  }
0x108: {  	s31 =	sshrl.u32 s1, $0x1  }
0x109: {  	s1 =	ssub.s32 s1, s31  }
0x10a: {  	[sflag:s3] =	ssyncset.done $0x0;
	s1 =	smax.u32 s1, $0x1  }
0x10b: {  	[sflag:s3] =	ssyncadd.s32 $0xFFFFC000;
	p0 =	sne.s32 s1, $0x1  }
.Ltmp0:
0x10c: {  	_ =	swait.ge [sflag:s9], $0x4000;
	(pc) =	sbr.rel @!p0 .LBB2_2-.Ltmp0, $4  }
0x10d: {  	s0 =	sshll.u32 s0, $0x4;
	[sflag:s9] =	ssyncset.done $0x0;
	s31 =	rddreg [dreg:$0x17]  }
0x10e: {  	s31 =	sadd.s32 s31, s0;
	[sflag:s9] =	ssyncadd.s32 $0xFFFFC000  }
0x10f: {  	[hbm4b:s31+s2] =	stream.linear.scatter [tilespmem:s7], [sflag:$0x3], $0x4000, $0x38;
	[tilespmem:$0x8100] =	vst v63  }
0x110: {  	s1 =	sadd.s32 $0xFFFFFFFF, s1;
	_ =	swait.ge [sflag:s3], $0x4000  }
.LBB2_1:
0x111: {  	[sflag:s3] =	ssyncset.done $0x0  }
0x112: {  	s0 =	rddreg [dreg:$0x3];
	[sflag:s3] =	ssyncadd.s32 $0xFFFFC000  }
0x113: {  	[tilespmem:s2], [sflag:$0x3] =	stream.linear.gather [hbm4b:s0+s2], $0x80, $0x38;
	[tilespmem:$0x8100] =	vst v63  }
0x114: {  	_ =	swait.ge [sflag:s3], $0x80  }
0x115: {  	[sflag:s3] =	ssyncset.done $0x0  }
0x116: {  	[sflag:s3] =	ssyncadd.s32 $0xFFFFFF80  }
0x117: {  	[tilespmem:s6], [sflag:$0x1] =	stream.indirect.gather [hbm4b:s4+s5], $0x80, s2, s5, $0xb8;
	[tilespmem:$0x8100] =	vst v63  }
0x118: {  	s0 =	rddreg [dreg:$0x4]  }
0x119: {  	[tilespmem:s5], [sflag:$0x3] =	stream.linear.gather [hbm4b:s0+s2], $0x80, $0x38;
	[tilespmem:$0x8100] =	vst v63  }
0x11a: {  	_ =	swait.ge [sflag:s3], $0x80  }
0x11b: {  	[sflag:s3] =	ssyncset.done $0x0  }
0x11c: {  	[sflag:s3] =	ssyncadd.s32 $0xFFFFFF80  }
0x11d: {  	[tilespmem:s7], [sflag:$0x2] =	stream.indirect.gather [hbm4b:s4+s5], $0x80, s5, s5, $0xb8;
	[tilespmem:$0x8100] =	vst v63  }
0x11e: {  	_ =	swait.ge [sflag:s8], $0x4000  }
0x11f: {  	[sflag:s8] =	ssyncset.done $0x0  }
0x120: {  	s0 =	rddreg [dreg:$0x5];
	[sflag:s8] =	ssyncadd.s32 $0xFFFFC000  }
0x121: {  	[hbm4b:s0+s2] =	stream.linear.scatter [tilespmem:s6], [sflag:$0x3], $0x4000, $0x38;
	[tilespmem:$0x8100] =	vst v63  }
0x122: {  	_ =	swait.ge [sflag:s3], $0x4000  }
0x123: {  	[sflag:s3] =	ssyncset.done $0x0  }
0x124: {  	s0 =	rddreg [dreg:$0x6];
	[sflag:s3] =	ssyncadd.s32 $0xFFFFC000  }
0x125: {  	[tilespmem:s2], [sflag:$0x3] =	stream.linear.gather [hbm4b:s0+s2], $0x80, $0x38;
	[tilespmem:$0x8100] =	vst v63  }
0x126: {  	_ =	swait.ge [sflag:s3], $0x80  }
0x127: {  	[sflag:s3] =	ssyncset.done $0x0  }
0x128: {  	[sflag:s3] =	ssyncadd.s32 $0xFFFFFF80  }
0x129: {  	[tilespmem:s6], [sflag:$0x1] =	stream.indirect.gather [hbm4b:s4+s5], $0x80, s2, s5, $0xb8;
	[tilespmem:$0x8100] =	vst v63  }
0x12a: {  	_ =	swait.ge [sflag:s9], $0x4000  }
0x12b: {  	[sflag:s9] =	ssyncset.done $0x0  }
0x12c: {  	s0 =	rddreg [dreg:$0x7];
	[sflag:s9] =	ssyncadd.s32 $0xFFFFC000  }
0x12d: {  	[hbm4b:s0+s2] =	stream.linear.scatter [tilespmem:s7], [sflag:$0x3], $0x4000, $0x38;
	[tilespmem:$0x8100] =	vst v63  }
0x12e: {  	_ =	swait.ge [sflag:s3], $0x4000  }
0x12f: {  	[sflag:s3] =	ssyncset.done $0x0  }
0x130: {  	s0 =	rddreg [dreg:$0x8];
	[sflag:s3] =	ssyncadd.s32 $0xFFFFC000  }
0x131: {  	[tilespmem:s5], [sflag:$0x3] =	stream.linear.gather [hbm4b:s0+s2], $0x80, $0x38;
	[tilespmem:$0x8100] =	vst v63  }
0x132: {  	_ =	swait.ge [sflag:s3], $0x80  }
0x133: {  	[sflag:s3] =	ssyncset.done $0x0  }
0x134: {  	[sflag:s3] =	ssyncadd.s32 $0xFFFFFF80  }
0x135: {  	[tilespmem:s7], [sflag:$0x2] =	stream.indirect.gather [hbm4b:s4+s5], $0x80, s5, s5, $0xb8;
	[tilespmem:$0x8100] =	vst v63  }
0x136: {  	_ =	swait.ge [sflag:s8], $0x4000  }
0x137: {  	[sflag:s8] =	ssyncset.done $0x0  }
0x138: {  	s0 =	rddreg [dreg:$0x9];
	[sflag:s8] =	ssyncadd.s32 $0xFFFFC000  }
0x139: {  	[hbm4b:s0+s2] =	stream.linear.scatter [tilespmem:s6], [sflag:$0x3], $0x4000, $0x38;
	[tilespmem:$0x8100] =	vst v63  }
0x13a: {  	_ =	swait.ge [sflag:s3], $0x4000  }
0x13b: {  	[sflag:s3] =	ssyncset.done $0x0  }
0x13c: {  	s0 =	rddreg [dreg:$0xa];
	[sflag:s3] =	ssyncadd.s32 $0xFFFFC000  }
0x13d: {  	[tilespmem:s2], [sflag:$0x3] =	stream.linear.gather [hbm4b:s0+s2], $0x80, $0x38;
	[tilespmem:$0x8100] =	vst v63  }
0x13e: {  	_ =	swait.ge [sflag:s3], $0x80  }
0x13f: {  	[sflag:s3] =	ssyncset.done $0x0  }
0x140: {  	[sflag:s3] =	ssyncadd.s32 $0xFFFFFF80  }
0x141: {  	[tilespmem:s6], [sflag:$0x1] =	stream.indirect.gather [hbm4b:s4+s5], $0x80, s2, s5, $0xb8;
	[tilespmem:$0x8100] =	vst v63  }
0x142: {  	_ =	swait.ge [sflag:s9], $0x4000  }
0x143: {  	[sflag:s9] =	ssyncset.done $0x0  }
0x144: {  	s0 =	rddreg [dreg:$0xb];
	[sflag:s9] =	ssyncadd.s32 $0xFFFFC000  }
0x145: {  	[hbm4b:s0+s2] =	stream.linear.scatter [tilespmem:s7], [sflag:$0x3], $0x4000, $0x38;
	[tilespmem:$0x8100] =	vst v63  }
0x146: {  	_ =	swait.ge [sflag:s3], $0x4000  }
0x147: {  	[sflag:s3] =	ssyncset.done $0x0  }
0x148: {  	s0 =	rddreg [dreg:$0xc];
	[sflag:s3] =	ssyncadd.s32 $0xFFFFC000  }
0x149: {  	[tilespmem:s5], [sflag:$0x3] =	stream.linear.gather [hbm4b:s0+s2], $0x80, $0x38;
	[tilespmem:$0x8100] =	vst v63  }
0x14a: {  	_ =	swait.ge [sflag:s3], $0x80  }
0x14b: {  	[sflag:s3] =	ssyncset.done $0x0  }
0x14c: {  	[sflag:s3] =	ssyncadd.s32 $0xFFFFFF80  }
0x14d: {  	[tilespmem:s7], [sflag:$0x2] =	stream.indirect.gather [hbm4b:s4+s5], $0x80, s5, s5, $0xb8;
	[tilespmem:$0x8100] =	vst v63  }
0x14e: {  	_ =	swait.ge [sflag:s8], $0x4000  }
0x14f: {  	[sflag:s8] =	ssyncset.done $0x0  }
0x150: {  	s0 =	rddreg [dreg:$0xd];
	[sflag:s8] =	ssyncadd.s32 $0xFFFFC000  }
0x151: {  	[hbm4b:s0+s2] =	stream.linear.scatter [tilespmem:s6], [sflag:$0x3], $0x4000, $0x38;
	[tilespmem:$0x8100] =	vst v63  }
0x152: {  	_ =	swait.ge [sflag:s3], $0x4000  }
0x153: {  	[sflag:s3] =	ssyncset.done $0x0  }
0x154: {  	s0 =	rddreg [dreg:$0xe];
	[sflag:s3] =	ssyncadd.s32 $0xFFFFC000  }
0x155: {  	[tilespmem:s2], [sflag:$0x3] =	stream.linear.gather [hbm4b:s0+s2], $0x80, $0x38;
	[tilespmem:$0x8100] =	vst v63  }
0x156: {  	_ =	swait.ge [sflag:s3], $0x80  }
0x157: {  	[sflag:s3] =	ssyncset.done $0x0  }
0x158: {  	[sflag:s3] =	ssyncadd.s32 $0xFFFFFF80  }
0x159: {  	[tilespmem:s6], [sflag:$0x1] =	stream.indirect.gather [hbm4b:s4+s5], $0x80, s2, s5, $0xb8;
	[tilespmem:$0x8100] =	vst v63  }
0x15a: {  	_ =	swait.ge [sflag:s9], $0x4000  }
0x15b: {  	[sflag:s9] =	ssyncset.done $0x0  }
0x15c: {  	s0 =	rddreg [dreg:$0xf];
	[sflag:s9] =	ssyncadd.s32 $0xFFFFC000  }
0x15d: {  	[hbm4b:s0+s2] =	stream.linear.scatter [tilespmem:s7], [sflag:$0x3], $0x4000, $0x38;
	[tilespmem:$0x8100] =	vst v63  }
0x15e: {  	_ =	swait.ge [sflag:s3], $0x4000  }
0x15f: {  	[sflag:s3] =	ssyncset.done $0x0  }
0x160: {  	s0 =	rddreg [dreg:$0x10];
	[sflag:s3] =	ssyncadd.s32 $0xFFFFC000  }
0x161: {  	[tilespmem:s5], [sflag:$0x3] =	stream.linear.gather [hbm4b:s0+s2], $0x80, $0x38;
	[tilespmem:$0x8100] =	vst v63  }
0x162: {  	_ =	swait.ge [sflag:s3], $0x80  }
0x163: {  	[sflag:s3] =	ssyncset.done $0x0  }
0x164: {  	[sflag:s3] =	ssyncadd.s32 $0xFFFFFF80  }
0x165: {  	[tilespmem:s7], [sflag:$0x2] =	stream.indirect.gather [hbm4b:s4+s5], $0x80, s5, s5, $0xb8;
	[tilespmem:$0x8100] =	vst v63  }
0x166: {  	_ =	swait.ge [sflag:s8], $0x4000  }
0x167: {  	[sflag:s8] =	ssyncset.done $0x0  }
0x168: {  	s0 =	rddreg [dreg:$0x11];
	[sflag:s8] =	ssyncadd.s32 $0xFFFFC000  }
0x169: {  	[hbm4b:s0+s2] =	stream.linear.scatter [tilespmem:s6], [sflag:$0x3], $0x4000, $0x38;
	[tilespmem:$0x8100] =	vst v63  }
0x16a: {  	_ =	swait.ge [sflag:s3], $0x4000  }
0x16b: {  	[sflag:s3] =	ssyncset.done $0x0  }
0x16c: {  	s0 =	rddreg [dreg:$0x12];
	[sflag:s3] =	ssyncadd.s32 $0xFFFFC000  }
0x16d: {  	[tilespmem:s2], [sflag:$0x3] =	stream.linear.gather [hbm4b:s0+s2], $0x80, $0x38;
	[tilespmem:$0x8100] =	vst v63  }
0x16e: {  	_ =	swait.ge [sflag:s3], $0x80  }
0x16f: {  	[sflag:s3] =	ssyncset.done $0x0  }
0x170: {  	[sflag:s3] =	ssyncadd.s32 $0xFFFFFF80  }
0x171: {  	[tilespmem:s6], [sflag:$0x1] =	stream.indirect.gather [hbm4b:s4+s5], $0x80, s2, s5, $0xb8;
	[tilespmem:$0x8100] =	vst v63  }
0x172: {  	_ =	swait.ge [sflag:s9], $0x4000  }
0x173: {  	[sflag:s9] =	ssyncset.done $0x0  }
0x174: {  	s0 =	rddreg [dreg:$0x13];
	[sflag:s9] =	ssyncadd.s32 $0xFFFFC000  }
0x175: {  	[hbm4b:s0+s2] =	stream.linear.scatter [tilespmem:s7], [sflag:$0x3], $0x4000, $0x38;
	[tilespmem:$0x8100] =	vst v63  }
0x176: {  	_ =	swait.ge [sflag:s3], $0x4000  }
0x177: {  	[sflag:s3] =	ssyncset.done $0x0  }
0x178: {  	s0 =	rddreg [dreg:$0x14];
	[sflag:s3] =	ssyncadd.s32 $0xFFFFC000  }
0x179: {  	[tilespmem:s5], [sflag:$0x3] =	stream.linear.gather [hbm4b:s0+s2], $0x80, $0x38;
	[tilespmem:$0x8100] =	vst v63  }
0x17a: {  	_ =	swait.ge [sflag:s3], $0x80  }
0x17b: {  	[sflag:s3] =	ssyncset.done $0x0  }
0x17c: {  	[sflag:s3] =	ssyncadd.s32 $0xFFFFFF80  }
0x17d: {  	[tilespmem:s7], [sflag:$0x2] =	stream.indirect.gather [hbm4b:s4+s5], $0x80, s5, s5, $0xb8;
	[tilespmem:$0x8100] =	vst v63  }
0x17e: {  	_ =	swait.ge [sflag:s8], $0x4000  }
0x17f: {  	[sflag:s8] =	ssyncset.done $0x0  }
0x180: {  	s0 =	rddreg [dreg:$0x15];
	[sflag:s8] =	ssyncadd.s32 $0xFFFFC000  }
0x181: {  	[hbm4b:s0+s2] =	stream.linear.scatter [tilespmem:s6], [sflag:$0x3], $0x4000, $0x38;
	[tilespmem:$0x8100] =	vst v63  }
0x182: {  	_ =	swait.ge [sflag:s3], $0x4000  }
0x183: {  	[sflag:s3] =	ssyncset.done $0x0  }
0x184: {  	[sflag:s3] =	ssyncadd.s32 $0xFFFFC000  }
0x185: {  	[tilespmem:s2], [sflag:$0x3] =	stream.linear.gather [hbm4b:s10+s2], $0x80, $0x38;
	[tilespmem:$0x8100] =	vst v63  }
0x186: {  	_ =	swait.ge [sflag:s3], $0x80  }
0x187: {  	[sflag:s3] =	ssyncset.done $0x0  }
0x188: {  	[sflag:s3] =	ssyncadd.s32 $0xFFFFFF80  }
0x189: {  	[tilespmem:s6], [sflag:$0x1] =	stream.indirect.gather [hbm4b:s4+s5], $0x80, s2, s5, $0xb8;
	[tilespmem:$0x8100] =	vst v63  }
0x18a: {  	_ =	swait.ge [sflag:s9], $0x4000  }
0x18b: {  	[sflag:s9] =	ssyncset.done $0x0  }
0x18c: {  	[sflag:s9] =	ssyncadd.s32 $0xFFFFC000  }
0x18d: {  	[hbm4b:s11+s2] =	stream.linear.scatter [tilespmem:s7], [sflag:$0x3], $0x4000, $0x38;
	[tilespmem:$0x8100] =	vst v63  }
0x18e: {  	_ =	swait.ge [sflag:s3], $0x4000  }
0x18f: {  	[sflag:s3] =	ssyncset.done $0x0  }
0x190: {  	[sflag:s3] =	ssyncadd.s32 $0xFFFFC000  }
0x191: {  	[tilespmem:s5], [sflag:$0x3] =	stream.linear.gather [hbm4b:s12+s2], $0x80, $0x38;
	[tilespmem:$0x8100] =	vst v63  }
0x192: {  	_ =	swait.ge [sflag:s3], $0x80  }
0x193: {  	[sflag:s3] =	ssyncset.done $0x0  }
0x194: {  	[sflag:s3] =	ssyncadd.s32 $0xFFFFFF80  }
0x195: {  	[tilespmem:s7], [sflag:$0x2] =	stream.indirect.gather [hbm4b:s4+s5], $0x80, s5, s5, $0xb8;
	[tilespmem:$0x8100] =	vst v63  }
0x196: {  	_ =	swait.ge [sflag:s8], $0x4000  }
0x197: {  	[sflag:s8] =	ssyncset.done $0x0  }
0x198: {  	[sflag:s8] =	ssyncadd.s32 $0xFFFFC000  }
0x199: {  	[hbm4b:s13+s2] =	stream.linear.scatter [tilespmem:s6], [sflag:$0x3], $0x4000, $0x38;
	[tilespmem:$0x8100] =	vst v63  }
0x19a: {  	_ =	swait.ge [sflag:s3], $0x4000  }
0x19b: {  	[sflag:s3] =	ssyncset.done $0x0  }
0x19c: {  	[sflag:s3] =	ssyncadd.s32 $0xFFFFC000  }
0x19d: {  	[tilespmem:s2], [sflag:$0x3] =	stream.linear.gather [hbm4b:s14+s2], $0x80, $0x38;
	[tilespmem:$0x8100] =	vst v63  }
0x19e: {  	_ =	swait.ge [sflag:s3], $0x80  }
0x19f: {  	[sflag:s3] =	ssyncset.done $0x0  }
0x1a0: {  	[sflag:s3] =	ssyncadd.s32 $0xFFFFFF80  }
0x1a1: {  	[tilespmem:s6], [sflag:$0x1] =	stream.indirect.gather [hbm4b:s4+s5], $0x80, s2, s5, $0xb8;
	[tilespmem:$0x8100] =	vst v63  }
0x1a2: {  	_ =	swait.ge [sflag:s9], $0x4000  }
0x1a3: {  	[sflag:s9] =	ssyncset.done $0x0  }
0x1a4: {  	[sflag:s9] =	ssyncadd.s32 $0xFFFFC000  }
0x1a5: {  	[hbm4b:s15+s2] =	stream.linear.scatter [tilespmem:s7], [sflag:$0x3], $0x4000, $0x38;
	[tilespmem:$0x8100] =	vst v63  }
0x1a6: {  	_ =	swait.ge [sflag:s3], $0x4000  }
0x1a7: {  	[sflag:s3] =	ssyncset.done $0x0  }
0x1a8: {  	[sflag:s3] =	ssyncadd.s32 $0xFFFFC000  }
0x1a9: {  	[tilespmem:s5], [sflag:$0x3] =	stream.linear.gather [hbm4b:s16+s2], $0x80, $0x38;
	[tilespmem:$0x8100] =	vst v63  }
0x1aa: {  	_ =	swait.ge [sflag:s3], $0x80  }
0x1ab: {  	[sflag:s3] =	ssyncset.done $0x0  }
0x1ac: {  	[sflag:s3] =	ssyncadd.s32 $0xFFFFFF80  }
0x1ad: {  	[tilespmem:s7], [sflag:$0x2] =	stream.indirect.gather [hbm4b:s4+s5], $0x80, s5, s5, $0xb8;
	[tilespmem:$0x8100] =	vst v63  }
0x1ae: {  	_ =	swait.ge [sflag:s8], $0x4000  }
0x1af: {  	[sflag:s8] =	ssyncset.done $0x0  }
0x1b0: {  	[sflag:s8] =	ssyncadd.s32 $0xFFFFC000  }
0x1b1: {  	[hbm4b:s17+s2] =	stream.linear.scatter [tilespmem:s6], [sflag:$0x3], $0x4000, $0x38;
	[tilespmem:$0x8100] =	vst v63  }
0x1b2: {  	_ =	swait.ge [sflag:s3], $0x4000  }
0x1b3: {  	[sflag:s3] =	ssyncset.done $0x0  }
0x1b4: {  	[sflag:s3] =	ssyncadd.s32 $0xFFFFC000  }
0x1b5: {  	[tilespmem:s2], [sflag:$0x3] =	stream.linear.gather [hbm4b:s18+s2], $0x80, $0x38;
	[tilespmem:$0x8100] =	vst v63  }
0x1b6: {  	_ =	swait.ge [sflag:s3], $0x80  }
0x1b7: {  	[sflag:s3] =	ssyncset.done $0x0  }
0x1b8: {  	[sflag:s3] =	ssyncadd.s32 $0xFFFFFF80  }
0x1b9: {  	[tilespmem:s6], [sflag:$0x1] =	stream.indirect.gather [hbm4b:s4+s5], $0x80, s2, s5, $0xb8;
	[tilespmem:$0x8100] =	vst v63  }
0x1ba: {  	_ =	swait.ge [sflag:s9], $0x4000  }
0x1bb: {  	[sflag:s9] =	ssyncset.done $0x0  }
0x1bc: {  	[sflag:s9] =	ssyncadd.s32 $0xFFFFC000  }
0x1bd: {  	[hbm4b:s19+s2] =	stream.linear.scatter [tilespmem:s7], [sflag:$0x3], $0x4000, $0x38;
	[tilespmem:$0x8100] =	vst v63  }
0x1be: {  	_ =	swait.ge [sflag:s3], $0x4000  }
0x1bf: {  	[sflag:s3] =	ssyncset.done $0x0  }
0x1c0: {  	[sflag:s3] =	ssyncadd.s32 $0xFFFFC000  }
0x1c1: {  	[tilespmem:s5], [sflag:$0x3] =	stream.linear.gather [hbm4b:s20+s2], $0x80, $0x38;
	[tilespmem:$0x8100] =	vst v63  }
0x1c2: {  	_ =	swait.ge [sflag:s3], $0x80  }
0x1c3: {  	[sflag:s3] =	ssyncset.done $0x0  }
0x1c4: {  	[sflag:s3] =	ssyncadd.s32 $0xFFFFFF80  }
0x1c5: {  	[tilespmem:s7], [sflag:$0x2] =	stream.indirect.gather [hbm4b:s4+s5], $0x80, s5, s5, $0xb8;
	[tilespmem:$0x8100] =	vst v63  }
0x1c6: {  	_ =	swait.ge [sflag:s8], $0x4000  }
0x1c7: {  	[sflag:s8] =	ssyncset.done $0x0  }
0x1c8: {  	[sflag:s8] =	ssyncadd.s32 $0xFFFFC000  }
0x1c9: {  	[hbm4b:s21+s2] =	stream.linear.scatter [tilespmem:s6], [sflag:$0x3], $0x4000, $0x38;
	[tilespmem:$0x8100] =	vst v63  }
0x1ca: {  	_ =	swait.ge [sflag:s3], $0x4000  }
0x1cb: {  	[sflag:s3] =	ssyncset.done $0x0  }
0x1cc: {  	[sflag:s3] =	ssyncadd.s32 $0xFFFFC000  }
0x1cd: {  	[tilespmem:s2], [sflag:$0x3] =	stream.linear.gather [hbm4b:s22+s2], $0x80, $0x38;
	[tilespmem:$0x8100] =	vst v63  }
0x1ce: {  	_ =	swait.ge [sflag:s3], $0x80  }
0x1cf: {  	[sflag:s3] =	ssyncset.done $0x0  }
0x1d0: {  	[sflag:s3] =	ssyncadd.s32 $0xFFFFFF80  }
0x1d1: {  	[tilespmem:s6], [sflag:$0x1] =	stream.indirect.gather [hbm4b:s4+s5], $0x80, s2, s5, $0xb8;
	[tilespmem:$0x8100] =	vst v63  }
0x1d2: {  	_ =	swait.ge [sflag:s9], $0x4000  }
0x1d3: {  	[sflag:s9] =	ssyncset.done $0x0  }
0x1d4: {  	[sflag:s9] =	ssyncadd.s32 $0xFFFFC000  }
0x1d5: {  	[hbm4b:s23+s2] =	stream.linear.scatter [tilespmem:s7], [sflag:$0x3], $0x4000, $0x38;
	[tilespmem:$0x8100] =	vst v63  }
0x1d6: {  	_ =	swait.ge [sflag:s3], $0x4000  }
0x1d7: {  	[sflag:s3] =	ssyncset.done $0x0  }
0x1d8: {  	[sflag:s3] =	ssyncadd.s32 $0xFFFFC000  }
0x1d9: {  	[tilespmem:s5], [sflag:$0x3] =	stream.linear.gather [hbm4b:s24+s2], $0x80, $0x38;
	[tilespmem:$0x8100] =	vst v63  }
0x1da: {  	_ =	swait.ge [sflag:s3], $0x80  }
0x1db: {  	[sflag:s3] =	ssyncset.done $0x0  }
0x1dc: {  	[sflag:s3] =	ssyncadd.s32 $0xFFFFFF80  }
0x1dd: {  	[tilespmem:s7], [sflag:$0x2] =	stream.indirect.gather [hbm4b:s4+s5], $0x80, s5, s5, $0xb8;
	[tilespmem:$0x8100] =	vst v63  }
0x1de: {  	_ =	swait.ge [sflag:s8], $0x4000  }
0x1df: {  	[sflag:s8] =	ssyncset.done $0x0  }
0x1e0: {  	[sflag:s8] =	ssyncadd.s32 $0xFFFFC000  }
0x1e1: {  	[hbm4b:s25+s2] =	stream.linear.scatter [tilespmem:s6], [sflag:$0x3], $0x4000, $0x38;
	[tilespmem:$0x8100] =	vst v63  }
0x1e2: {  	_ =	swait.ge [sflag:s3], $0x4000  }
0x1e3: {  	[sflag:s3] =	ssyncset.done $0x0  }
0x1e4: {  	[sflag:s3] =	ssyncadd.s32 $0xFFFFC000  }
0x1e5: {  	[tilespmem:s2], [sflag:$0x3] =	stream.linear.gather [hbm4b:s26+s2], $0x80, $0x38;
	[tilespmem:$0x8100] =	vst v63  }
0x1e6: {  	_ =	swait.ge [sflag:s3], $0x80  }
0x1e7: {  	[sflag:s3] =	ssyncset.done $0x0  }
0x1e8: {  	[sflag:s3] =	ssyncadd.s32 $0xFFFFFF80  }
0x1e9: {  	[tilespmem:s6], [sflag:$0x1] =	stream.indirect.gather [hbm4b:s4+s5], $0x80, s2, s5, $0xb8;
	[tilespmem:$0x8100] =	vst v63  }
0x1ea: {  	_ =	swait.ge [sflag:s9], $0x4000  }
0x1eb: {  	[sflag:s9] =	ssyncset.done $0x0  }
0x1ec: {  	[sflag:s9] =	ssyncadd.s32 $0xFFFFC000  }
0x1ed: {  	[hbm4b:s28+s2] =	stream.linear.scatter [tilespmem:s7], [sflag:$0x3], $0x4000, $0x38;
	[tilespmem:$0x8100] =	vst v63  }
0x1ee: {  	_ =	swait.ge [sflag:s3], $0x4000  }
0x1ef: {  	[sflag:s3] =	ssyncset.done $0x0  }
0x1f0: {  	[sflag:s3] =	ssyncadd.s32 $0xFFFFC000  }
0x1f1: {  	[tilespmem:s5], [sflag:$0x3] =	stream.linear.gather [hbm4b:s29+s2], $0x80, $0x38;
	[tilespmem:$0x8100] =	vst v63  }
0x1f2: {  	_ =	swait.ge [sflag:s3], $0x80  }
0x1f3: {  	[sflag:s3] =	ssyncset.done $0x0  }
0x1f4: {  	[sflag:s3] =	ssyncadd.s32 $0xFFFFFF80  }
0x1f5: {  	[tilespmem:s7], [sflag:$0x2] =	stream.indirect.gather [hbm4b:s4+s5], $0x80, s5, s5, $0xb8;
	[tilespmem:$0x8100] =	vst v63  }
0x1f6: {  	_ =	swait.ge [sflag:s8], $0x4000  }
0x1f7: {  	[sflag:s8] =	ssyncset.done $0x0  }
0x1f8: {  	[sflag:s8] =	ssyncadd.s32 $0xFFFFC000  }
0x1f9: {  	[hbm4b:s30+s2] =	stream.linear.scatter [tilespmem:s6], [sflag:$0x3], $0x4000, $0x38;
	[tilespmem:$0x8100] =	vst v63  }
0x1fa: {  	_ =	swait.ge [sflag:s3], $0x4000  }
0x1fb: {  	[sflag:s3] =	ssyncset.done $0x0  }
0x1fc: {  	p0 =	sne.s32 s1, $0x1;
	[sflag:s3] =	ssyncadd.s32 $0xFFFFC000  }
.Ltmp1:
0x1fd: {  	_ =	swait.ge [sflag:s9], $0x4000;
	(pc) =	sbr.rel @p0 .LBB2_1-.Ltmp1, $4  }
0x1fe: {  	[sflag:s9] =	ssyncset.done $0x0  }
0x1ff: {  	[sflag:s9] =	ssyncadd.s32 $0xFFFFC000  }
0x200: {  	[hbm4b:s31+s2] =	stream.linear.scatter [tilespmem:s7], [sflag:$0x3], $0x4000, $0x38;
	[tilespmem:$0x8100] =	vst v63  }
0x201: {  	s1 =	sadd.s32 $0xFFFFFFFF, s1;
	_ =	swait.ge [sflag:s3], $0x4000  }
.LBB2_2:
0x202: {  	[sflag:s3] =	ssyncset.done $0x0  }
0x203: {  	[sflag:s3] =	ssyncadd.s32 $0xFFFFC000  }
0x204: {  	_ =	sfence.sel $0x180000  }
0x205: {  	[bflag:$0x0] =	sbarrier.arrive $0xFFFF  }
0x206: {  	_ =	strace $0x90000047  }
0x207: {  	s0 =	stileid.u32;
	[bflag:$0x2] =	sbarrier.arrive $0xFFFF  }
0x208: {  	p0 =	sne.s32 s0, $0x0;
	s0 =	rddreg [dreg:$0x2]  }
0x209: {  	s0 =	sadd.s32 @!p0 $0x100000, s0  }
0x20a: {  	[sflag:s0] =	ssyncadd.tile.s32 @!p0 $0x1;
	_ =	shalt  }
.Lfunc_end2:
_tile_overlayer_lowered:
.L_overlay_start_2:
0x20b: {  	(tag) =	ssettag $0x2  }
0x20c: {  	s0 =	rddreg [dreg:$0x0];
	s2 =	stileid.u32  }
0x20d: {  	s1 =	rddreg [dreg:$0x1];
	p0 =	sne.s32 s2, $0x0  }
0x20e: {  	s3 =	rddreg [dreg:$0x2];
	[bflag:$0x3] =	sbarrier.arrive $0xFFFF;
	s2 =	simm.s32 @!p0 $0x1C03  }
0x20f: {  	[timem:s3], [sflag:s2] =	dma.local @!p0 [hbm:s0], s1  }
0x210: {  	s0 =	simm.s32 @!p0 $0x3  }
0x211: {  	_ =	swait.ge @!p0 [sflag:s0], s1  }
0x212: {  	s1 =	ssub.s32 @!p0 $0x0, s1;
	[sflag:s0] =	ssyncset.done @!p0 $0x0  }
0x213: {  	[sflag:s0] =	ssyncadd.s32 @!p0 s1  }
0x214: {  	[bflag:$0x3] =	sbarrier.arrive $0xFFFF  }
0x215: {  	_ =	shalt  }

</sc_bundles>
